<compile_context>
chip_gen: v7x
topology: tpu7x:2x2x1
jax: 0.10.2.dev20260603
libtpu: 0.0.44.dev20260713+nightly
codegen_flags: <defaults>
</compile_context>

<pallas_src>
import functools

import jax
import jax.numpy as jnp
from jax import lax
from jax.experimental import pallas as pl
from jax.experimental.pallas import tpu as pltpu
from jax.experimental.pallas import tpu_sc as plsc

N0 = 10000
N1 = 1024
E = 160000
NODE_IN = 128
EDGE_IN = 16
HIDDEN = 16
NUM_CLASS = 40

_NC = 2
_NS = 16
_NW = _NC * _NS


def _sc_gather(table, idx, chunk):
    R = idx.shape[0]
    D = table.shape[1]
    per = R // _NW
    nch = per // chunk
    mesh = plsc.VectorSubcoreMesh(core_axis_name="c", subcore_axis_name="s")

    @functools.partial(
        pl.kernel,
        mesh=mesh,
        out_type=jax.ShapeDtypeStruct((R, D), jnp.float32),
        scratch_types=[
            pltpu.VMEM((per,), jnp.int32),
            pltpu.VMEM((chunk, D), jnp.float32),
            pltpu.VMEM((chunk, D), jnp.float32),
            pltpu.SemaphoreType.DMA,
            pltpu.SemaphoreType.DMA,
        ],
    )
    def k(table_hbm, idx_hbm, out_hbm, idx_v, rows0, rows1, sem0, sem1):
        wid = lax.axis_index("s") * _NC + lax.axis_index("c")
        base = pl.multiple_of(wid * per, 8)
        pltpu.sync_copy(idx_hbm.at[pl.ds(base, per)], idx_v)
        rows = (rows0, rows1)
        sems = (sem0, sem1)

        def gather_start(j, buf):
            off = pl.multiple_of(j * chunk, 8)
            pltpu.async_copy(
                table_hbm.at[idx_v.at[pl.ds(off, chunk)]], rows[buf], sems[buf]
            )

        def drain(j, buf):
            off = pl.multiple_of(j * chunk, 8)
            pltpu.make_async_copy(
                table_hbm.at[idx_v.at[pl.ds(off, chunk)]], rows[buf], sems[buf]
            ).wait()
            pltpu.sync_copy(rows[buf], out_hbm.at[pl.ds(base + off, chunk)])

        for j in range(nch):
            if j == 0:
                gather_start(0, 0)
            if j + 1 < nch:
                gather_start(j + 1, (j + 1) % 2)
            drain(j, j % 2)

    return k(table, idx)


def _tc_body(nb, B, ef_ref, hs_ref, dst_ref, selfh_ref, WeT_ref, be8_ref,
             WnT_ref, bn_ref, WfcT_ref, bfc_ref, out_ref, acc_ref):
    i = pl.program_id(0)
    ef = ef_ref[...]
    hs = hs_ref[...]
    lane16 = lax.broadcasted_iota(jnp.int32, (B, HIDDEN), 1)
    m = jnp.zeros((B, HIDDEN), jnp.float32)
    for hh in range(8):
        Y = jnp.dot(ef, WeT_ref[:, hh * 256:(hh + 1) * 256],
                    preferred_element_type=jnp.float32)
        A = jnp.maximum(Y + be8_ref[hh:hh + 1, :], 0.0)
        s0 = jnp.sum(A[:, :128] * hs, axis=1, keepdims=True)
        s1 = jnp.sum(A[:, 128:] * hs, axis=1, keepdims=True)
        m = m + jnp.where(lane16 == 2 * hh, s0, 0.0)
        m = m + jnp.where(lane16 == 2 * hh + 1, s1, 0.0)
    dst = dst_ref[0, 0, :]
    rows = lax.broadcasted_iota(jnp.int32, (N1, B), 0)
    oh = jnp.where(rows == dst[None, :], 1.0, 0.0).astype(jnp.bfloat16)
    contrib = jnp.dot(oh, m.astype(jnp.bfloat16),
                      preferred_element_type=jnp.float32)

    @pl.when(i == 0)
    def _():
        acc_ref[...] = contrib

    @pl.when(i > 0)
    def _():
        acc_ref[...] = acc_ref[...] + contrib

    @pl.when(i == nb - 1)
    def _():
        sh = selfh_ref[...]
        z = jnp.dot(sh, WnT_ref[...], preferred_element_type=jnp.float32)
        act = acc_ref[...] + jnp.maximum(z + bn_ref[...], 0.0)
        out_ref[...] = (jnp.dot(act, WfcT_ref[...],
                                preferred_element_type=jnp.float32)
                        + bfc_ref[...])


def _tc_fused(ef, h_src, dst3, self_h, WeT, be8, WnT, bn2, WfcT, bfc2, B,
              interpret=False):
    nb = ef.shape[0] // B
    return pl.pallas_call(
        functools.partial(_tc_body, nb, B),
        grid=(nb,),
        in_specs=[
            pl.BlockSpec((B, EDGE_IN), lambda i: (i, 0)),
            pl.BlockSpec((B, NODE_IN), lambda i: (i, 0)),
            pl.BlockSpec((1, 1, B), lambda i: (i, 0, 0)),
            pl.BlockSpec((N1, NODE_IN), lambda i: (0, 0)),
            pl.BlockSpec((EDGE_IN, HIDDEN * NODE_IN), lambda i: (0, 0)),
            pl.BlockSpec((8, 256), lambda i: (0, 0)),
            pl.BlockSpec((NODE_IN, HIDDEN), lambda i: (0, 0)),
            pl.BlockSpec((1, HIDDEN), lambda i: (0, 0)),
            pl.BlockSpec((HIDDEN, NUM_CLASS), lambda i: (0, 0)),
            pl.BlockSpec((1, NUM_CLASS), lambda i: (0, 0)),
        ],
        out_specs=pl.BlockSpec((N1, NUM_CLASS), lambda i: (0, 0)),
        out_shape=jax.ShapeDtypeStruct((N1, NUM_CLASS), jnp.float32),
        scratch_shapes=[pltpu.VMEM((N1, HIDDEN), jnp.float32)],
        compiler_params=pltpu.CompilerParams(
            dimension_semantics=("arbitrary",)),
        interpret=interpret,
    )(ef, h_src, dst3, self_h, WeT, be8, WnT, bn2, WfcT, bfc2)


_B = 4000
_CHUNK = 296


def kernel(node_features, edge_features, edge_src, edge_dst, layer_nid,
           We, be, Wn, bn, Wfc, bfc):
    idx = jnp.concatenate([edge_src.astype(jnp.int32),
                           layer_nid.astype(jnp.int32)])
    gathered = _sc_gather(node_features, idx, _CHUNK)
    h_src = gathered[:E]
    self_h = gathered[E:]
    dst3 = edge_dst.astype(jnp.int32).reshape(E // _B, 1, _B)
    WeT = We.T.astype(jnp.bfloat16)
    be8 = be.reshape(8, 256)
    WnT = Wn.T
    bn2 = bn.reshape(1, HIDDEN)
    WfcT = Wfc.T
    bfc2 = bfc.reshape(1, NUM_CLASS)
    return _tc_fused(edge_features.astype(jnp.bfloat16), h_src, dst3, self_h,
                     WeT, be8, WnT, bn2, WfcT, bfc2, _B)

# --- scband reference (transcript-rebuilt; emitter-appended) ---
"""Pipeline reference for scband-mini-batch-ecconv-train-35021163331747 (READ-ONLY COPY).

The authoritative reference and input builder live on the scoring server;
editing this copy changes nothing except your own understanding.
"""

import jax, jax.numpy as jnp
import numpy as np

N0 = 10000
N1 = 1024
E = 160000
NODE_IN = 128
EDGE_IN = 16
HIDDEN = 16
NUM_CLASS = 40


def setup_inputs(seed: int = 0) -> dict:
    key = jax.random.key(seed)
    ks = [jax.random.fold_in(key, i) for i in range(12)]
    node_features = jax.random.normal(ks[0], (N0, NODE_IN), dtype=jnp.float32)
    edge_features = jax.random.normal(ks[1], (E, EDGE_IN), dtype=jnp.float32)
    edge_src = jax.random.randint(ks[2], (E,), 0, N0, dtype=jnp.int64)
    edge_dst = jax.random.randint(ks[3], (E,), 0, N1, dtype=jnp.int64)
    layer_nid = jax.random.randint(ks[4], (N1,), 0, N0, dtype=jnp.int64)
    # edge_layers[0]: Linear(edge_in_dim, hidden_dim * node_in_dim)
    We = jax.random.normal(ks[5], (HIDDEN * NODE_IN, EDGE_IN), dtype=jnp.float32) * 0.05
    be = jax.random.normal(ks[6], (HIDDEN * NODE_IN,), dtype=jnp.float32) * 0.05
    # node_layers[0].layer: Linear(node_in_dim, hidden_dim)
    Wn = jax.random.normal(ks[7], (HIDDEN, NODE_IN), dtype=jnp.float32) * 0.05
    bn = jax.random.normal(ks[8], (HIDDEN,), dtype=jnp.float32) * 0.05
    # fc: Linear(hidden_dim, num_class)
    Wfc = jax.random.normal(ks[9], (NUM_CLASS, HIDDEN), dtype=jnp.float32) * 0.05
    bfc = jax.random.normal(ks[10], (NUM_CLASS,), dtype=jnp.float32) * 0.05
    return {
        'node_features': node_features,
        'edge_features': edge_features,
        'edge_src': edge_src,
        'edge_dst': edge_dst,
        'layer_nid': layer_nid,
        'We': We, 'be': be,
        'Wn': Wn, 'bn': bn,
        'Wfc': Wfc, 'bfc': bfc,
    }


def reference(node_features, edge_features, edge_src, edge_dst, layer_nid,
              We, be, Wn, bn, Wfc, bfc):
    # layer 0 activation = node_features
    h = node_features
    # e = relu(edge_layer(e))  -> [E, hidden * node_in]
    e = jax.nn.relu(edge_features @ We.T + be)
    # self_h: dst nodes' features gathered from layer-0 representation
    self_h = jnp.take(h, layer_nid, axis=0)  # [N1, node_in]
    # message_func: m = bmm(e.reshape(E, hidden, node_in), h_src[..., None]).squeeze(-1)
    h_src = jnp.take(h, edge_src, axis=0)  # [E, node_in]
    e3 = e.reshape(E, HIDDEN, NODE_IN)
    m = jnp.einsum('ehd,ed->eh', e3, h_src)  # [E, hidden]
    # reduce_func: sum over mailbox -> scatter-add by destination node
    h_dst = jax.ops.segment_sum(m, edge_dst, num_segments=N1)  # [N1, hidden]
    # NodeUpdate: activation = h + relu(Linear(self_h))
    act = h_dst + jax.nn.relu(self_h @ Wn.T + bn)  # [N1, hidden]
    # final classifier
    out = act @ Wfc.T + bfc  # [N1, num_class]
    return out

if __name__ == "__main__":
    import jax
    _d = setup_inputs()
    print(jax.jit(kernel)(*tuple(_d.values())))

</pallas_src>

<mosaic_0001>
#map = affine_map<(d0, d1) -> (0, 0)>
#map1 = affine_map<(d0, d1) -> (0)>
module attributes {stable_mosaic.version = 14 : i64} {
  func.func @k(%arg0: i32, %arg1: i32, %arg2: memref<10000x128xf32, #tpu.memory_space<hbm>>, %arg3: memref<161024xi32, #tpu.memory_space<hbm>>, %arg4: memref<161024x128xf32, #tpu.memory_space<hbm>>, %arg5: memref<5032xi32, #tpu.memory_space<vmem>>, %arg6: memref<296x128xf32, #tpu.memory_space<vmem>>, %arg7: memref<296x128xf32, #tpu.memory_space<vmem>>, %arg8: memref<!tpu.dma_semaphore, #tpu.memory_space<semaphore_mem>>, %arg9: memref<!tpu.dma_semaphore, #tpu.memory_space<semaphore_mem>>) attributes {dimension_semantics = [#tpu.dimension_semantics<core_parallel>, #tpu.dimension_semantics<subcore_parallel>], iteration_bounds = array<i64: 2, 16>, scalar_prefetch = 0 : i64, scratch_operands = 5 : i64, tpu.core_type = #tpu.core_type<sc_vector_subcore>, window_params = [{transform_indices = #map}, {transform_indices = #map1}, {transform_indices = #map}]} {
    %mul3A = arith.constant 2 : i32
    %mul3A_0 = arith.muli %arg1, %mul3A : i32
    %add3A = arith.addi %mul3A_0, %arg0 : i32
    %mul3A_1 = arith.constant 5032 : i32
    %mul3A_2 = arith.muli %add3A, %mul3A_1 : i32
    %multiple_of3A = tpu.assume_multiple %mul3A_2, 8 : i32
    "tpu.region"() ({
      %run_scoped3A = tpu.sem_alloc : memref<!tpu.dma_semaphore, #tpu.memory_space<semaphore_mem>>
      %dma_start3A_222 = tpu.memref_slice %arg3[%multiple_of3A] : memref<161024xi32, #tpu.memory_space<hbm>> -> memref<5032xi32, #tpu.memory_space<hbm>>
      %dma_start3A_223 = tpu.memref_slice %arg3[%multiple_of3A] : memref<161024xi32, #tpu.memory_space<hbm>> -> memref<5032xi32, #tpu.memory_space<hbm>>
      tpu.enqueue_dma source(%dma_start3A_223 : memref<5032xi32, #tpu.memory_space<hbm>>) target(%arg5 : memref<5032xi32, #tpu.memory_space<vmem>>) target_semaphore(%run_scoped3A : memref<!tpu.dma_semaphore, #tpu.memory_space<semaphore_mem>>)
      %dma_wait3A_224 = tpu.memref_slice %arg3[%multiple_of3A] : memref<161024xi32, #tpu.memory_space<hbm>> -> memref<5032xi32, #tpu.memory_space<hbm>>
      %dma_wait3A_225 = tpu.memref_slice %arg3[%multiple_of3A] : memref<161024xi32, #tpu.memory_space<hbm>> -> memref<5032xi32, #tpu.memory_space<hbm>>
      tpu.wait_dma2 semaphore(%run_scoped3A : memref<!tpu.dma_semaphore, #tpu.memory_space<semaphore_mem>>) src(%dma_wait3A_225 : memref<5032xi32, #tpu.memory_space<hbm>>) dst(%arg5 : memref<5032xi32, #tpu.memory_space<vmem>>)
      tpu.yield
    }) : () -> ()
    %multiple_of3A_3 = arith.constant 0 : i32
    %multiple_of3A_4 = tpu.assume_multiple %multiple_of3A_3, 8 : i32
    %dma_start3A = tpu.memref_slice %arg5[%multiple_of3A_4] : memref<5032xi32, #tpu.memory_space<vmem>> -> memref<296xi32, #tpu.memory_space<vmem>>
    %dma_start3A_5 = arith.constant 0 : i32
    %dma_start3A_6 = arith.constant 0 : i32
    %dma_start3A_7 = tpu.memref_slice %arg2[%dma_start3A_5, %dma_start3A_6] : memref<10000x128xf32, #tpu.memory_space<hbm>> -> memref<10000x128xf32, #tpu.memory_space<hbm>>
    tpu.enqueue_indirect_dma source(%dma_start3A_7 : memref<10000x128xf32, #tpu.memory_space<hbm>>) target(%arg6 : memref<296x128xf32, #tpu.memory_space<vmem>>) offsets(%dma_start3A : memref<296xi32, #tpu.memory_space<vmem>>) semaphore(%arg8 : memref<!tpu.dma_semaphore, #tpu.memory_space<semaphore_mem>>)
    %multiple_of3A_8 = arith.constant 296 : i32
    %multiple_of3A_9 = tpu.assume_multiple %multiple_of3A_8, 8 : i32
    %dma_start3A_10 = tpu.memref_slice %arg5[%multiple_of3A_9] : memref<5032xi32, #tpu.memory_space<vmem>> -> memref<296xi32, #tpu.memory_space<vmem>>
    %dma_start3A_11 = arith.constant 0 : i32
    %dma_start3A_12 = arith.constant 0 : i32
    %dma_start3A_13 = tpu.memref_slice %arg2[%dma_start3A_11, %dma_start3A_12] : memref<10000x128xf32, #tpu.memory_space<hbm>> -> memref<10000x128xf32, #tpu.memory_space<hbm>>
    tpu.enqueue_indirect_dma source(%dma_start3A_13 : memref<10000x128xf32, #tpu.memory_space<hbm>>) target(%arg7 : memref<296x128xf32, #tpu.memory_space<vmem>>) offsets(%dma_start3A_10 : memref<296xi32, #tpu.memory_space<vmem>>) semaphore(%arg9 : memref<!tpu.dma_semaphore, #tpu.memory_space<semaphore_mem>>)
    %multiple_of3A_14 = arith.constant 0 : i32
    %multiple_of3A_15 = tpu.assume_multiple %multiple_of3A_14, 8 : i32
    %dma_wait3A = tpu.memref_slice %arg5[%multiple_of3A_15] : memref<5032xi32, #tpu.memory_space<vmem>> -> memref<296xi32, #tpu.memory_space<vmem>>
    %dma_wait3A_16 = arith.constant 0 : i32
    %dma_wait3A_17 = arith.constant 0 : i32
    %dma_wait3A_18 = tpu.memref_slice %arg2[%dma_wait3A_16, %dma_wait3A_17] : memref<10000x128xf32, #tpu.memory_space<hbm>> -> memref<10000x128xf32, #tpu.memory_space<hbm>>
    tpu.wait_indirect_dma semaphore(%arg8 : memref<!tpu.dma_semaphore, #tpu.memory_space<semaphore_mem>>) src(%dma_wait3A_18 : memref<10000x128xf32, #tpu.memory_space<hbm>>) dst(%arg6 : memref<296x128xf32, #tpu.memory_space<vmem>>)
    %add3A_19 = arith.addi %multiple_of3A, %multiple_of3A_15 : i32
    "tpu.region"() ({
      %run_scoped3A = tpu.sem_alloc : memref<!tpu.dma_semaphore, #tpu.memory_space<semaphore_mem>>
      %dma_start3A_222 = arith.constant 0 : i32
      %dma_start3A_223 = tpu.memref_slice %arg4[%add3A_19, %dma_start3A_222] : memref<161024x128xf32, #tpu.memory_space<hbm>> -> memref<296x128xf32, #tpu.memory_space<hbm>>
      %dma_start3A_224 = arith.constant 0 : i32
      %dma_start3A_225 = tpu.memref_slice %arg4[%add3A_19, %dma_start3A_224] : memref<161024x128xf32, #tpu.memory_space<hbm>> -> memref<296x128xf32, #tpu.memory_space<hbm>>
      tpu.enqueue_dma source(%arg6 : memref<296x128xf32, #tpu.memory_space<vmem>>) target(%dma_start3A_225 : memref<296x128xf32, #tpu.memory_space<hbm>>) target_semaphore(%run_scoped3A : memref<!tpu.dma_semaphore, #tpu.memory_space<semaphore_mem>>)
      %dma_wait3A_226 = arith.constant 0 : i32
      %dma_wait3A_227 = tpu.memref_slice %arg4[%add3A_19, %dma_wait3A_226] : memref<161024x128xf32, #tpu.memory_space<hbm>> -> memref<296x128xf32, #tpu.memory_space<hbm>>
      %dma_wait3A_228 = arith.constant 0 : i32
      %dma_wait3A_229 = tpu.memref_slice %arg4[%add3A_19, %dma_wait3A_228] : memref<161024x128xf32, #tpu.memory_space<hbm>> -> memref<296x128xf32, #tpu.memory_space<hbm>>
      tpu.wait_dma2 semaphore(%run_scoped3A : memref<!tpu.dma_semaphore, #tpu.memory_space<semaphore_mem>>) src(%arg6 : memref<296x128xf32, #tpu.memory_space<vmem>>) dst(%dma_wait3A_229 : memref<296x128xf32, #tpu.memory_space<hbm>>)
      tpu.yield
    }) : () -> ()
    %multiple_of3A_20 = arith.constant 592 : i32
    %multiple_of3A_21 = tpu.assume_multiple %multiple_of3A_20, 8 : i32
    %dma_start3A_22 = tpu.memref_slice %arg5[%multiple_of3A_21] : memref<5032xi32, #tpu.memory_space<vmem>> -> memref<296xi32, #tpu.memory_space<vmem>>
    %dma_start3A_23 = arith.constant 0 : i32
    %dma_start3A_24 = arith.constant 0 : i32
    %dma_start3A_25 = tpu.memref_slice %arg2[%dma_start3A_23, %dma_start3A_24] : memref<10000x128xf32, #tpu.memory_space<hbm>> -> memref<10000x128xf32, #tpu.memory_space<hbm>>
    tpu.enqueue_indirect_dma source(%dma_start3A_25 : memref<10000x128xf32, #tpu.memory_space<hbm>>) target(%arg6 : memref<296x128xf32, #tpu.memory_space<vmem>>) offsets(%dma_start3A_22 : memref<296xi32, #tpu.memory_space<vmem>>) semaphore(%arg8 : memref<!tpu.dma_semaphore, #tpu.memory_space<semaphore_mem>>)
    %multiple_of3A_26 = arith.constant 296 : i32
    %multiple_of3A_27 = tpu.assume_multiple %multiple_of3A_26, 8 : i32
    %dma_wait3A_28 = tpu.memref_slice %arg5[%multiple_of3A_27] : memref<5032xi32, #tpu.memory_space<vmem>> -> memref<296xi32, #tpu.memory_space<vmem>>
    %dma_wait3A_29 = arith.constant 0 : i32
    %dma_wait3A_30 = arith.constant 0 : i32
    %dma_wait3A_31 = tpu.memref_slice %arg2[%dma_wait3A_29, %dma_wait3A_30] : memref<10000x128xf32, #tpu.memory_space<hbm>> -> memref<10000x128xf32, #tpu.memory_space<hbm>>
    tpu.wait_indirect_dma semaphore(%arg9 : memref<!tpu.dma_semaphore, #tpu.memory_space<semaphore_mem>>) src(%dma_wait3A_31 : memref<10000x128xf32, #tpu.memory_space<hbm>>) dst(%arg7 : memref<296x128xf32, #tpu.memory_space<vmem>>)
    %add3A_32 = arith.addi %multiple_of3A, %multiple_of3A_27 : i32
    "tpu.region"() ({
      %run_scoped3A = tpu.sem_alloc : memref<!tpu.dma_semaphore, #tpu.memory_space<semaphore_mem>>
      %dma_start3A_222 = arith.constant 0 : i32
      %dma_start3A_223 = tpu.memref_slice %arg4[%add3A_32, %dma_start3A_222] : memref<161024x128xf32, #tpu.memory_space<hbm>> -> memref<296x128xf32, #tpu.memory_space<hbm>>
      %dma_start3A_224 = arith.constant 0 : i32
      %dma_start3A_225 = tpu.memref_slice %arg4[%add3A_32, %dma_start3A_224] : memref<161024x128xf32, #tpu.memory_space<hbm>> -> memref<296x128xf32, #tpu.memory_space<hbm>>
      tpu.enqueue_dma source(%arg7 : memref<296x128xf32, #tpu.memory_space<vmem>>) target(%dma_start3A_225 : memref<296x128xf32, #tpu.memory_space<hbm>>) target_semaphore(%run_scoped3A : memref<!tpu.dma_semaphore, #tpu.memory_space<semaphore_mem>>)
      %dma_wait3A_226 = arith.constant 0 : i32
      %dma_wait3A_227 = tpu.memref_slice %arg4[%add3A_32, %dma_wait3A_226] : memref<161024x128xf32, #tpu.memory_space<hbm>> -> memref<296x128xf32, #tpu.memory_space<hbm>>
      %dma_wait3A_228 = arith.constant 0 : i32
      %dma_wait3A_229 = tpu.memref_slice %arg4[%add3A_32, %dma_wait3A_228] : memref<161024x128xf32, #tpu.memory_space<hbm>> -> memref<296x128xf32, #tpu.memory_space<hbm>>
      tpu.wait_dma2 semaphore(%run_scoped3A : memref<!tpu.dma_semaphore, #tpu.memory_space<semaphore_mem>>) src(%arg7 : memref<296x128xf32, #tpu.memory_space<vmem>>) dst(%dma_wait3A_229 : memref<296x128xf32, #tpu.memory_space<hbm>>)
      tpu.yield
    }) : () -> ()
    %multiple_of3A_33 = arith.constant 888 : i32
    %multiple_of3A_34 = tpu.assume_multiple %multiple_of3A_33, 8 : i32
    %dma_start3A_35 = tpu.memref_slice %arg5[%multiple_of3A_34] : memref<5032xi32, #tpu.memory_space<vmem>> -> memref<296xi32, #tpu.memory_space<vmem>>
    %dma_start3A_36 = arith.constant 0 : i32
    %dma_start3A_37 = arith.constant 0 : i32
    %dma_start3A_38 = tpu.memref_slice %arg2[%dma_start3A_36, %dma_start3A_37] : memref<10000x128xf32, #tpu.memory_space<hbm>> -> memref<10000x128xf32, #tpu.memory_space<hbm>>
    tpu.enqueue_indirect_dma source(%dma_start3A_38 : memref<10000x128xf32, #tpu.memory_space<hbm>>) target(%arg7 : memref<296x128xf32, #tpu.memory_space<vmem>>) offsets(%dma_start3A_35 : memref<296xi32, #tpu.memory_space<vmem>>) semaphore(%arg9 : memref<!tpu.dma_semaphore, #tpu.memory_space<semaphore_mem>>)
    %multiple_of3A_39 = arith.constant 592 : i32
    %multiple_of3A_40 = tpu.assume_multiple %multiple_of3A_39, 8 : i32
    %dma_wait3A_41 = tpu.memref_slice %arg5[%multiple_of3A_40] : memref<5032xi32, #tpu.memory_space<vmem>> -> memref<296xi32, #tpu.memory_space<vmem>>
    %dma_wait3A_42 = arith.constant 0 : i32
    %dma_wait3A_43 = arith.constant 0 : i32
    %dma_wait3A_44 = tpu.memref_slice %arg2[%dma_wait3A_42, %dma_wait3A_43] : memref<10000x128xf32, #tpu.memory_space<hbm>> -> memref<10000x128xf32, #tpu.memory_space<hbm>>
    tpu.wait_indirect_dma semaphore(%arg8 : memref<!tpu.dma_semaphore, #tpu.memory_space<semaphore_mem>>) src(%dma_wait3A_44 : memref<10000x128xf32, #tpu.memory_space<hbm>>) dst(%arg6 : memref<296x128xf32, #tpu.memory_space<vmem>>)
    %add3A_45 = arith.addi %multiple_of3A, %multiple_of3A_40 : i32
    "tpu.region"() ({
      %run_scoped3A = tpu.sem_alloc : memref<!tpu.dma_semaphore, #tpu.memory_space<semaphore_mem>>
      %dma_start3A_222 = arith.constant 0 : i32
      %dma_start3A_223 = tpu.memref_slice %arg4[%add3A_45, %dma_start3A_222] : memref<161024x128xf32, #tpu.memory_space<hbm>> -> memref<296x128xf32, #tpu.memory_space<hbm>>
      %dma_start3A_224 = arith.constant 0 : i32
      %dma_start3A_225 = tpu.memref_slice %arg4[%add3A_45, %dma_start3A_224] : memref<161024x128xf32, #tpu.memory_space<hbm>> -> memref<296x128xf32, #tpu.memory_space<hbm>>
      tpu.enqueue_dma source(%arg6 : memref<296x128xf32, #tpu.memory_space<vmem>>) target(%dma_start3A_225 : memref<296x128xf32, #tpu.memory_space<hbm>>) target_semaphore(%run_scoped3A : memref<!tpu.dma_semaphore, #tpu.memory_space<semaphore_mem>>)
      %dma_wait3A_226 = arith.constant 0 : i32
      %dma_wait3A_227 = tpu.memref_slice %arg4[%add3A_45, %dma_wait3A_226] : memref<161024x128xf32, #tpu.memory_space<hbm>> -> memref<296x128xf32, #tpu.memory_space<hbm>>
      %dma_wait3A_228 = arith.constant 0 : i32
      %dma_wait3A_229 = tpu.memref_slice %arg4[%add3A_45, %dma_wait3A_228] : memref<161024x128xf32, #tpu.memory_space<hbm>> -> memref<296x128xf32, #tpu.memory_space<hbm>>
      tpu.wait_dma2 semaphore(%run_scoped3A : memref<!tpu.dma_semaphore, #tpu.memory_space<semaphore_mem>>) src(%arg6 : memref<296x128xf32, #tpu.memory_space<vmem>>) dst(%dma_wait3A_229 : memref<296x128xf32, #tpu.memory_space<hbm>>)
      tpu.yield
    }) : () -> ()
    %multiple_of3A_46 = arith.constant 1184 : i32
    %multiple_of3A_47 = tpu.assume_multiple %multiple_of3A_46, 8 : i32
    %dma_start3A_48 = tpu.memref_slice %arg5[%multiple_of3A_47] : memref<5032xi32, #tpu.memory_space<vmem>> -> memref<296xi32, #tpu.memory_space<vmem>>
    %dma_start3A_49 = arith.constant 0 : i32
    %dma_start3A_50 = arith.constant 0 : i32
    %dma_start3A_51 = tpu.memref_slice %arg2[%dma_start3A_49, %dma_start3A_50] : memref<10000x128xf32, #tpu.memory_space<hbm>> -> memref<10000x128xf32, #tpu.memory_space<hbm>>
    tpu.enqueue_indirect_dma source(%dma_start3A_51 : memref<10000x128xf32, #tpu.memory_space<hbm>>) target(%arg6 : memref<296x128xf32, #tpu.memory_space<vmem>>) offsets(%dma_start3A_48 : memref<296xi32, #tpu.memory_space<vmem>>) semaphore(%arg8 : memref<!tpu.dma_semaphore, #tpu.memory_space<semaphore_mem>>)
    %multiple_of3A_52 = arith.constant 888 : i32
    %multiple_of3A_53 = tpu.assume_multiple %multiple_of3A_52, 8 : i32
    %dma_wait3A_54 = tpu.memref_slice %arg5[%multiple_of3A_53] : memref<5032xi32, #tpu.memory_space<vmem>> -> memref<296xi32, #tpu.memory_space<vmem>>
    %dma_wait3A_55 = arith.constant 0 : i32
    %dma_wait3A_56 = arith.constant 0 : i32
    %dma_wait3A_57 = tpu.memref_slice %arg2[%dma_wait3A_55, %dma_wait3A_56] : memref<10000x128xf32, #tpu.memory_space<hbm>> -> memref<10000x128xf32, #tpu.memory_space<hbm>>
    tpu.wait_indirect_dma semaphore(%arg9 : memref<!tpu.dma_semaphore, #tpu.memory_space<semaphore_mem>>) src(%dma_wait3A_57 : memref<10000x128xf32, #tpu.memory_space<hbm>>) dst(%arg7 : memref<296x128xf32, #tpu.memory_space<vmem>>)
    %add3A_58 = arith.addi %multiple_of3A, %multiple_of3A_53 : i32
    "tpu.region"() ({
      %run_scoped3A = tpu.sem_alloc : memref<!tpu.dma_semaphore, #tpu.memory_space<semaphore_mem>>
      %dma_start3A_222 = arith.constant 0 : i32
      %dma_start3A_223 = tpu.memref_slice %arg4[%add3A_58, %dma_start3A_222] : memref<161024x128xf32, #tpu.memory_space<hbm>> -> memref<296x128xf32, #tpu.memory_space<hbm>>
      %dma_start3A_224 = arith.constant 0 : i32
      %dma_start3A_225 = tpu.memref_slice %arg4[%add3A_58, %dma_start3A_224] : memref<161024x128xf32, #tpu.memory_space<hbm>> -> memref<296x128xf32, #tpu.memory_space<hbm>>
      tpu.enqueue_dma source(%arg7 : memref<296x128xf32, #tpu.memory_space<vmem>>) target(%dma_start3A_225 : memref<296x128xf32, #tpu.memory_space<hbm>>) target_semaphore(%run_scoped3A : memref<!tpu.dma_semaphore, #tpu.memory_space<semaphore_mem>>)
      %dma_wait3A_226 = arith.constant 0 : i32
      %dma_wait3A_227 = tpu.memref_slice %arg4[%add3A_58, %dma_wait3A_226] : memref<161024x128xf32, #tpu.memory_space<hbm>> -> memref<296x128xf32, #tpu.memory_space<hbm>>
      %dma_wait3A_228 = arith.constant 0 : i32
      %dma_wait3A_229 = tpu.memref_slice %arg4[%add3A_58, %dma_wait3A_228] : memref<161024x128xf32, #tpu.memory_space<hbm>> -> memref<296x128xf32, #tpu.memory_space<hbm>>
      tpu.wait_dma2 semaphore(%run_scoped3A : memref<!tpu.dma_semaphore, #tpu.memory_space<semaphore_mem>>) src(%arg7 : memref<296x128xf32, #tpu.memory_space<vmem>>) dst(%dma_wait3A_229 : memref<296x128xf32, #tpu.memory_space<hbm>>)
      tpu.yield
    }) : () -> ()
    %multiple_of3A_59 = arith.constant 1480 : i32
    %multiple_of3A_60 = tpu.assume_multiple %multiple_of3A_59, 8 : i32
    %dma_start3A_61 = tpu.memref_slice %arg5[%multiple_of3A_60] : memref<5032xi32, #tpu.memory_space<vmem>> -> memref<296xi32, #tpu.memory_space<vmem>>
    %dma_start3A_62 = arith.constant 0 : i32
    %dma_start3A_63 = arith.constant 0 : i32
    %dma_start3A_64 = tpu.memref_slice %arg2[%dma_start3A_62, %dma_start3A_63] : memref<10000x128xf32, #tpu.memory_space<hbm>> -> memref<10000x128xf32, #tpu.memory_space<hbm>>
    tpu.enqueue_indirect_dma source(%dma_start3A_64 : memref<10000x128xf32, #tpu.memory_space<hbm>>) target(%arg7 : memref<296x128xf32, #tpu.memory_space<vmem>>) offsets(%dma_start3A_61 : memref<296xi32, #tpu.memory_space<vmem>>) semaphore(%arg9 : memref<!tpu.dma_semaphore, #tpu.memory_space<semaphore_mem>>)
    %multiple_of3A_65 = arith.constant 1184 : i32
    %multiple_of3A_66 = tpu.assume_multiple %multiple_of3A_65, 8 : i32
    %dma_wait3A_67 = tpu.memref_slice %arg5[%multiple_of3A_66] : memref<5032xi32, #tpu.memory_space<vmem>> -> memref<296xi32, #tpu.memory_space<vmem>>
    %dma_wait3A_68 = arith.constant 0 : i32
    %dma_wait3A_69 = arith.constant 0 : i32
    %dma_wait3A_70 = tpu.memref_slice %arg2[%dma_wait3A_68, %dma_wait3A_69] : memref<10000x128xf32, #tpu.memory_space<hbm>> -> memref<10000x128xf32, #tpu.memory_space<hbm>>
    tpu.wait_indirect_dma semaphore(%arg8 : memref<!tpu.dma_semaphore, #tpu.memory_space<semaphore_mem>>) src(%dma_wait3A_70 : memref<10000x128xf32, #tpu.memory_space<hbm>>) dst(%arg6 : memref<296x128xf32, #tpu.memory_space<vmem>>)
    %add3A_71 = arith.addi %multiple_of3A, %multiple_of3A_66 : i32
    "tpu.region"() ({
      %run_scoped3A = tpu.sem_alloc : memref<!tpu.dma_semaphore, #tpu.memory_space<semaphore_mem>>
      %dma_start3A_222 = arith.constant 0 : i32
      %dma_start3A_223 = tpu.memref_slice %arg4[%add3A_71, %dma_start3A_222] : memref<161024x128xf32, #tpu.memory_space<hbm>> -> memref<296x128xf32, #tpu.memory_space<hbm>>
      %dma_start3A_224 = arith.constant 0 : i32
      %dma_start3A_225 = tpu.memref_slice %arg4[%add3A_71, %dma_start3A_224] : memref<161024x128xf32, #tpu.memory_space<hbm>> -> memref<296x128xf32, #tpu.memory_space<hbm>>
      tpu.enqueue_dma source(%arg6 : memref<296x128xf32, #tpu.memory_space<vmem>>) target(%dma_start3A_225 : memref<296x128xf32, #tpu.memory_space<hbm>>) target_semaphore(%run_scoped3A : memref<!tpu.dma_semaphore, #tpu.memory_space<semaphore_mem>>)
      %dma_wait3A_226 = arith.constant 0 : i32
      %dma_wait3A_227 = tpu.memref_slice %arg4[%add3A_71, %dma_wait3A_226] : memref<161024x128xf32, #tpu.memory_space<hbm>> -> memref<296x128xf32, #tpu.memory_space<hbm>>
      %dma_wait3A_228 = arith.constant 0 : i32
      %dma_wait3A_229 = tpu.memref_slice %arg4[%add3A_71, %dma_wait3A_228] : memref<161024x128xf32, #tpu.memory_space<hbm>> -> memref<296x128xf32, #tpu.memory_space<hbm>>
      tpu.wait_dma2 semaphore(%run_scoped3A : memref<!tpu.dma_semaphore, #tpu.memory_space<semaphore_mem>>) src(%arg6 : memref<296x128xf32, #tpu.memory_space<vmem>>) dst(%dma_wait3A_229 : memref<296x128xf32, #tpu.memory_space<hbm>>)
      tpu.yield
    }) : () -> ()
    %multiple_of3A_72 = arith.constant 1776 : i32
    %multiple_of3A_73 = tpu.assume_multiple %multiple_of3A_72, 8 : i32
    %dma_start3A_74 = tpu.memref_slice %arg5[%multiple_of3A_73] : memref<5032xi32, #tpu.memory_space<vmem>> -> memref<296xi32, #tpu.memory_space<vmem>>
    %dma_start3A_75 = arith.constant 0 : i32
    %dma_start3A_76 = arith.constant 0 : i32
    %dma_start3A_77 = tpu.memref_slice %arg2[%dma_start3A_75, %dma_start3A_76] : memref<10000x128xf32, #tpu.memory_space<hbm>> -> memref<10000x128xf32, #tpu.memory_space<hbm>>
    tpu.enqueue_indirect_dma source(%dma_start3A_77 : memref<10000x128xf32, #tpu.memory_space<hbm>>) target(%arg6 : memref<296x128xf32, #tpu.memory_space<vmem>>) offsets(%dma_start3A_74 : memref<296xi32, #tpu.memory_space<vmem>>) semaphore(%arg8 : memref<!tpu.dma_semaphore, #tpu.memory_space<semaphore_mem>>)
    %multiple_of3A_78 = arith.constant 1480 : i32
    %multiple_of3A_79 = tpu.assume_multiple %multiple_of3A_78, 8 : i32
    %dma_wait3A_80 = tpu.memref_slice %arg5[%multiple_of3A_79] : memref<5032xi32, #tpu.memory_space<vmem>> -> memref<296xi32, #tpu.memory_space<vmem>>
    %dma_wait3A_81 = arith.constant 0 : i32
    %dma_wait3A_82 = arith.constant 0 : i32
    %dma_wait3A_83 = tpu.memref_slice %arg2[%dma_wait3A_81, %dma_wait3A_82] : memref<10000x128xf32, #tpu.memory_space<hbm>> -> memref<10000x128xf32, #tpu.memory_space<hbm>>
    tpu.wait_indirect_dma semaphore(%arg9 : memref<!tpu.dma_semaphore, #tpu.memory_space<semaphore_mem>>) src(%dma_wait3A_83 : memref<10000x128xf32, #tpu.memory_space<hbm>>) dst(%arg7 : memref<296x128xf32, #tpu.memory_space<vmem>>)
    %add3A_84 = arith.addi %multiple_of3A, %multiple_of3A_79 : i32
    "tpu.region"() ({
      %run_scoped3A = tpu.sem_alloc : memref<!tpu.dma_semaphore, #tpu.memory_space<semaphore_mem>>
      %dma_start3A_222 = arith.constant 0 : i32
      %dma_start3A_223 = tpu.memref_slice %arg4[%add3A_84, %dma_start3A_222] : memref<161024x128xf32, #tpu.memory_space<hbm>> -> memref<296x128xf32, #tpu.memory_space<hbm>>
      %dma_start3A_224 = arith.constant 0 : i32
      %dma_start3A_225 = tpu.memref_slice %arg4[%add3A_84, %dma_start3A_224] : memref<161024x128xf32, #tpu.memory_space<hbm>> -> memref<296x128xf32, #tpu.memory_space<hbm>>
      tpu.enqueue_dma source(%arg7 : memref<296x128xf32, #tpu.memory_space<vmem>>) target(%dma_start3A_225 : memref<296x128xf32, #tpu.memory_space<hbm>>) target_semaphore(%run_scoped3A : memref<!tpu.dma_semaphore, #tpu.memory_space<semaphore_mem>>)
      %dma_wait3A_226 = arith.constant 0 : i32
      %dma_wait3A_227 = tpu.memref_slice %arg4[%add3A_84, %dma_wait3A_226] : memref<161024x128xf32, #tpu.memory_space<hbm>> -> memref<296x128xf32, #tpu.memory_space<hbm>>
      %dma_wait3A_228 = arith.constant 0 : i32
      %dma_wait3A_229 = tpu.memref_slice %arg4[%add3A_84, %dma_wait3A_228] : memref<161024x128xf32, #tpu.memory_space<hbm>> -> memref<296x128xf32, #tpu.memory_space<hbm>>
      tpu.wait_dma2 semaphore(%run_scoped3A : memref<!tpu.dma_semaphore, #tpu.memory_space<semaphore_mem>>) src(%arg7 : memref<296x128xf32, #tpu.memory_space<vmem>>) dst(%dma_wait3A_229 : memref<296x128xf32, #tpu.memory_space<hbm>>)
      tpu.yield
    }) : () -> ()
    %multiple_of3A_85 = arith.constant 2072 : i32
    %multiple_of3A_86 = tpu.assume_multiple %multiple_of3A_85, 8 : i32
    %dma_start3A_87 = tpu.memref_slice %arg5[%multiple_of3A_86] : memref<5032xi32, #tpu.memory_space<vmem>> -> memref<296xi32, #tpu.memory_space<vmem>>
    %dma_start3A_88 = arith.constant 0 : i32
    %dma_start3A_89 = arith.constant 0 : i32
    %dma_start3A_90 = tpu.memref_slice %arg2[%dma_start3A_88, %dma_start3A_89] : memref<10000x128xf32, #tpu.memory_space<hbm>> -> memref<10000x128xf32, #tpu.memory_space<hbm>>
    tpu.enqueue_indirect_dma source(%dma_start3A_90 : memref<10000x128xf32, #tpu.memory_space<hbm>>) target(%arg7 : memref<296x128xf32, #tpu.memory_space<vmem>>) offsets(%dma_start3A_87 : memref<296xi32, #tpu.memory_space<vmem>>) semaphore(%arg9 : memref<!tpu.dma_semaphore, #tpu.memory_space<semaphore_mem>>)
    %multiple_of3A_91 = arith.constant 1776 : i32
    %multiple_of3A_92 = tpu.assume_multiple %multiple_of3A_91, 8 : i32
    %dma_wait3A_93 = tpu.memref_slice %arg5[%multiple_of3A_92] : memref<5032xi32, #tpu.memory_space<vmem>> -> memref<296xi32, #tpu.memory_space<vmem>>
    %dma_wait3A_94 = arith.constant 0 : i32
    %dma_wait3A_95 = arith.constant 0 : i32
    %dma_wait3A_96 = tpu.memref_slice %arg2[%dma_wait3A_94, %dma_wait3A_95] : memref<10000x128xf32, #tpu.memory_space<hbm>> -> memref<10000x128xf32, #tpu.memory_space<hbm>>
    tpu.wait_indirect_dma semaphore(%arg8 : memref<!tpu.dma_semaphore, #tpu.memory_space<semaphore_mem>>) src(%dma_wait3A_96 : memref<10000x128xf32, #tpu.memory_space<hbm>>) dst(%arg6 : memref<296x128xf32, #tpu.memory_space<vmem>>)
    %add3A_97 = arith.addi %multiple_of3A, %multiple_of3A_92 : i32
    "tpu.region"() ({
      %run_scoped3A = tpu.sem_alloc : memref<!tpu.dma_semaphore, #tpu.memory_space<semaphore_mem>>
      %dma_start3A_222 = arith.constant 0 : i32
      %dma_start3A_223 = tpu.memref_slice %arg4[%add3A_97, %dma_start3A_222] : memref<161024x128xf32, #tpu.memory_space<hbm>> -> memref<296x128xf32, #tpu.memory_space<hbm>>
      %dma_start3A_224 = arith.constant 0 : i32
      %dma_start3A_225 = tpu.memref_slice %arg4[%add3A_97, %dma_start3A_224] : memref<161024x128xf32, #tpu.memory_space<hbm>> -> memref<296x128xf32, #tpu.memory_space<hbm>>
      tpu.enqueue_dma source(%arg6 : memref<296x128xf32, #tpu.memory_space<vmem>>) target(%dma_start3A_225 : memref<296x128xf32, #tpu.memory_space<hbm>>) target_semaphore(%run_scoped3A : memref<!tpu.dma_semaphore, #tpu.memory_space<semaphore_mem>>)
      %dma_wait3A_226 = arith.constant 0 : i32
      %dma_wait3A_227 = tpu.memref_slice %arg4[%add3A_97, %dma_wait3A_226] : memref<161024x128xf32, #tpu.memory_space<hbm>> -> memref<296x128xf32, #tpu.memory_space<hbm>>
      %dma_wait3A_228 = arith.constant 0 : i32
      %dma_wait3A_229 = tpu.memref_slice %arg4[%add3A_97, %dma_wait3A_228] : memref<161024x128xf32, #tpu.memory_space<hbm>> -> memref<296x128xf32, #tpu.memory_space<hbm>>
      tpu.wait_dma2 semaphore(%run_scoped3A : memref<!tpu.dma_semaphore, #tpu.memory_space<semaphore_mem>>) src(%arg6 : memref<296x128xf32, #tpu.memory_space<vmem>>) dst(%dma_wait3A_229 : memref<296x128xf32, #tpu.memory_space<hbm>>)
      tpu.yield
    }) : () -> ()
    %multiple_of3A_98 = arith.constant 2368 : i32
    %multiple_of3A_99 = tpu.assume_multiple %multiple_of3A_98, 8 : i32
    %dma_start3A_100 = tpu.memref_slice %arg5[%multiple_of3A_99] : memref<5032xi32, #tpu.memory_space<vmem>> -> memref<296xi32, #tpu.memory_space<vmem>>
    %dma_start3A_101 = arith.constant 0 : i32
    %dma_start3A_102 = arith.constant 0 : i32
    %dma_start3A_103 = tpu.memref_slice %arg2[%dma_start3A_101, %dma_start3A_102] : memref<10000x128xf32, #tpu.memory_space<hbm>> -> memref<10000x128xf32, #tpu.memory_space<hbm>>
    tpu.enqueue_indirect_dma source(%dma_start3A_103 : memref<10000x128xf32, #tpu.memory_space<hbm>>) target(%arg6 : memref<296x128xf32, #tpu.memory_space<vmem>>) offsets(%dma_start3A_100 : memref<296xi32, #tpu.memory_space<vmem>>) semaphore(%arg8 : memref<!tpu.dma_semaphore, #tpu.memory_space<semaphore_mem>>)
    %multiple_of3A_104 = arith.constant 2072 : i32
    %multiple_of3A_105 = tpu.assume_multiple %multiple_of3A_104, 8 : i32
    %dma_wait3A_106 = tpu.memref_slice %arg5[%multiple_of3A_105] : memref<5032xi32, #tpu.memory_space<vmem>> -> memref<296xi32, #tpu.memory_space<vmem>>
    %dma_wait3A_107 = arith.constant 0 : i32
    %dma_wait3A_108 = arith.constant 0 : i32
    %dma_wait3A_109 = tpu.memref_slice %arg2[%dma_wait3A_107, %dma_wait3A_108] : memref<10000x128xf32, #tpu.memory_space<hbm>> -> memref<10000x128xf32, #tpu.memory_space<hbm>>
    tpu.wait_indirect_dma semaphore(%arg9 : memref<!tpu.dma_semaphore, #tpu.memory_space<semaphore_mem>>) src(%dma_wait3A_109 : memref<10000x128xf32, #tpu.memory_space<hbm>>) dst(%arg7 : memref<296x128xf32, #tpu.memory_space<vmem>>)
    %add3A_110 = arith.addi %multiple_of3A, %multiple_of3A_105 : i32
    "tpu.region"() ({
      %run_scoped3A = tpu.sem_alloc : memref<!tpu.dma_semaphore, #tpu.memory_space<semaphore_mem>>
      %dma_start3A_222 = arith.constant 0 : i32
      %dma_start3A_223 = tpu.memref_slice %arg4[%add3A_110, %dma_start3A_222] : memref<161024x128xf32, #tpu.memory_space<hbm>> -> memref<296x128xf32, #tpu.memory_space<hbm>>
      %dma_start3A_224 = arith.constant 0 : i32
      %dma_start3A_225 = tpu.memref_slice %arg4[%add3A_110, %dma_start3A_224] : memref<161024x128xf32, #tpu.memory_space<hbm>> -> memref<296x128xf32, #tpu.memory_space<hbm>>
      tpu.enqueue_dma source(%arg7 : memref<296x128xf32, #tpu.memory_space<vmem>>) target(%dma_start3A_225 : memref<296x128xf32, #tpu.memory_space<hbm>>) target_semaphore(%run_scoped3A : memref<!tpu.dma_semaphore, #tpu.memory_space<semaphore_mem>>)
      %dma_wait3A_226 = arith.constant 0 : i32
      %dma_wait3A_227 = tpu.memref_slice %arg4[%add3A_110, %dma_wait3A_226] : memref<161024x128xf32, #tpu.memory_space<hbm>> -> memref<296x128xf32, #tpu.memory_space<hbm>>
      %dma_wait3A_228 = arith.constant 0 : i32
      %dma_wait3A_229 = tpu.memref_slice %arg4[%add3A_110, %dma_wait3A_228] : memref<161024x128xf32, #tpu.memory_space<hbm>> -> memref<296x128xf32, #tpu.memory_space<hbm>>
      tpu.wait_dma2 semaphore(%run_scoped3A : memref<!tpu.dma_semaphore, #tpu.memory_space<semaphore_mem>>) src(%arg7 : memref<296x128xf32, #tpu.memory_space<vmem>>) dst(%dma_wait3A_229 : memref<296x128xf32, #tpu.memory_space<hbm>>)
      tpu.yield
    }) : () -> ()
    %multiple_of3A_111 = arith.constant 2664 : i32
    %multiple_of3A_112 = tpu.assume_multiple %multiple_of3A_111, 8 : i32
    %dma_start3A_113 = tpu.memref_slice %arg5[%multiple_of3A_112] : memref<5032xi32, #tpu.memory_space<vmem>> -> memref<296xi32, #tpu.memory_space<vmem>>
    %dma_start3A_114 = arith.constant 0 : i32
    %dma_start3A_115 = arith.constant 0 : i32
    %dma_start3A_116 = tpu.memref_slice %arg2[%dma_start3A_114, %dma_start3A_115] : memref<10000x128xf32, #tpu.memory_space<hbm>> -> memref<10000x128xf32, #tpu.memory_space<hbm>>
    tpu.enqueue_indirect_dma source(%dma_start3A_116 : memref<10000x128xf32, #tpu.memory_space<hbm>>) target(%arg7 : memref<296x128xf32, #tpu.memory_space<vmem>>) offsets(%dma_start3A_113 : memref<296xi32, #tpu.memory_space<vmem>>) semaphore(%arg9 : memref<!tpu.dma_semaphore, #tpu.memory_space<semaphore_mem>>)
    %multiple_of3A_117 = arith.constant 2368 : i32
    %multiple_of3A_118 = tpu.assume_multiple %multiple_of3A_117, 8 : i32
    %dma_wait3A_119 = tpu.memref_slice %arg5[%multiple_of3A_118] : memref<5032xi32, #tpu.memory_space<vmem>> -> memref<296xi32, #tpu.memory_space<vmem>>
    %dma_wait3A_120 = arith.constant 0 : i32
    %dma_wait3A_121 = arith.constant 0 : i32
    %dma_wait3A_122 = tpu.memref_slice %arg2[%dma_wait3A_120, %dma_wait3A_121] : memref<10000x128xf32, #tpu.memory_space<hbm>> -> memref<10000x128xf32, #tpu.memory_space<hbm>>
    tpu.wait_indirect_dma semaphore(%arg8 : memref<!tpu.dma_semaphore, #tpu.memory_space<semaphore_mem>>) src(%dma_wait3A_122 : memref<10000x128xf32, #tpu.memory_space<hbm>>) dst(%arg6 : memref<296x128xf32, #tpu.memory_space<vmem>>)
    %add3A_123 = arith.addi %multiple_of3A, %multiple_of3A_118 : i32
    "tpu.region"() ({
      %run_scoped3A = tpu.sem_alloc : memref<!tpu.dma_semaphore, #tpu.memory_space<semaphore_mem>>
      %dma_start3A_222 = arith.constant 0 : i32
      %dma_start3A_223 = tpu.memref_slice %arg4[%add3A_123, %dma_start3A_222] : memref<161024x128xf32, #tpu.memory_space<hbm>> -> memref<296x128xf32, #tpu.memory_space<hbm>>
      %dma_start3A_224 = arith.constant 0 : i32
      %dma_start3A_225 = tpu.memref_slice %arg4[%add3A_123, %dma_start3A_224] : memref<161024x128xf32, #tpu.memory_space<hbm>> -> memref<296x128xf32, #tpu.memory_space<hbm>>
      tpu.enqueue_dma source(%arg6 : memref<296x128xf32, #tpu.memory_space<vmem>>) target(%dma_start3A_225 : memref<296x128xf32, #tpu.memory_space<hbm>>) target_semaphore(%run_scoped3A : memref<!tpu.dma_semaphore, #tpu.memory_space<semaphore_mem>>)
      %dma_wait3A_226 = arith.constant 0 : i32
      %dma_wait3A_227 = tpu.memref_slice %arg4[%add3A_123, %dma_wait3A_226] : memref<161024x128xf32, #tpu.memory_space<hbm>> -> memref<296x128xf32, #tpu.memory_space<hbm>>
      %dma_wait3A_228 = arith.constant 0 : i32
      %dma_wait3A_229 = tpu.memref_slice %arg4[%add3A_123, %dma_wait3A_228] : memref<161024x128xf32, #tpu.memory_space<hbm>> -> memref<296x128xf32, #tpu.memory_space<hbm>>
      tpu.wait_dma2 semaphore(%run_scoped3A : memref<!tpu.dma_semaphore, #tpu.memory_space<semaphore_mem>>) src(%arg6 : memref<296x128xf32, #tpu.memory_space<vmem>>) dst(%dma_wait3A_229 : memref<296x128xf32, #tpu.memory_space<hbm>>)
      tpu.yield
    }) : () -> ()
    %multiple_of3A_124 = arith.constant 2960 : i32
    %multiple_of3A_125 = tpu.assume_multiple %multiple_of3A_124, 8 : i32
    %dma_start3A_126 = tpu.memref_slice %arg5[%multiple_of3A_125] : memref<5032xi32, #tpu.memory_space<vmem>> -> memref<296xi32, #tpu.memory_space<vmem>>
    %dma_start3A_127 = arith.constant 0 : i32
    %dma_start3A_128 = arith.constant 0 : i32
    %dma_start3A_129 = tpu.memref_slice %arg2[%dma_start3A_127, %dma_start3A_128] : memref<10000x128xf32, #tpu.memory_space<hbm>> -> memref<10000x128xf32, #tpu.memory_space<hbm>>
    tpu.enqueue_indirect_dma source(%dma_start3A_129 : memref<10000x128xf32, #tpu.memory_space<hbm>>) target(%arg6 : memref<296x128xf32, #tpu.memory_space<vmem>>) offsets(%dma_start3A_126 : memref<296xi32, #tpu.memory_space<vmem>>) semaphore(%arg8 : memref<!tpu.dma_semaphore, #tpu.memory_space<semaphore_mem>>)
    %multiple_of3A_130 = arith.constant 2664 : i32
    %multiple_of3A_131 = tpu.assume_multiple %multiple_of3A_130, 8 : i32
    %dma_wait3A_132 = tpu.memref_slice %arg5[%multiple_of3A_131] : memref<5032xi32, #tpu.memory_space<vmem>> -> memref<296xi32, #tpu.memory_space<vmem>>
    %dma_wait3A_133 = arith.constant 0 : i32
    %dma_wait3A_134 = arith.constant 0 : i32
    %dma_wait3A_135 = tpu.memref_slice %arg2[%dma_wait3A_133, %dma_wait3A_134] : memref<10000x128xf32, #tpu.memory_space<hbm>> -> memref<10000x128xf32, #tpu.memory_space<hbm>>
    tpu.wait_indirect_dma semaphore(%arg9 : memref<!tpu.dma_semaphore, #tpu.memory_space<semaphore_mem>>) src(%dma_wait3A_135 : memref<10000x128xf32, #tpu.memory_space<hbm>>) dst(%arg7 : memref<296x128xf32, #tpu.memory_space<vmem>>)
    %add3A_136 = arith.addi %multiple_of3A, %multiple_of3A_131 : i32
    "tpu.region"() ({
      %run_scoped3A = tpu.sem_alloc : memref<!tpu.dma_semaphore, #tpu.memory_space<semaphore_mem>>
      %dma_start3A_222 = arith.constant 0 : i32
      %dma_start3A_223 = tpu.memref_slice %arg4[%add3A_136, %dma_start3A_222] : memref<161024x128xf32, #tpu.memory_space<hbm>> -> memref<296x128xf32, #tpu.memory_space<hbm>>
      %dma_start3A_224 = arith.constant 0 : i32
      %dma_start3A_225 = tpu.memref_slice %arg4[%add3A_136, %dma_start3A_224] : memref<161024x128xf32, #tpu.memory_space<hbm>> -> memref<296x128xf32, #tpu.memory_space<hbm>>
      tpu.enqueue_dma source(%arg7 : memref<296x128xf32, #tpu.memory_space<vmem>>) target(%dma_start3A_225 : memref<296x128xf32, #tpu.memory_space<hbm>>) target_semaphore(%run_scoped3A : memref<!tpu.dma_semaphore, #tpu.memory_space<semaphore_mem>>)
      %dma_wait3A_226 = arith.constant 0 : i32
      %dma_wait3A_227 = tpu.memref_slice %arg4[%add3A_136, %dma_wait3A_226] : memref<161024x128xf32, #tpu.memory_space<hbm>> -> memref<296x128xf32, #tpu.memory_space<hbm>>
      %dma_wait3A_228 = arith.constant 0 : i32
      %dma_wait3A_229 = tpu.memref_slice %arg4[%add3A_136, %dma_wait3A_228] : memref<161024x128xf32, #tpu.memory_space<hbm>> -> memref<296x128xf32, #tpu.memory_space<hbm>>
      tpu.wait_dma2 semaphore(%run_scoped3A : memref<!tpu.dma_semaphore, #tpu.memory_space<semaphore_mem>>) src(%arg7 : memref<296x128xf32, #tpu.memory_space<vmem>>) dst(%dma_wait3A_229 : memref<296x128xf32, #tpu.memory_space<hbm>>)
      tpu.yield
    }) : () -> ()
    %multiple_of3A_137 = arith.constant 3256 : i32
    %multiple_of3A_138 = tpu.assume_multiple %multiple_of3A_137, 8 : i32
    %dma_start3A_139 = tpu.memref_slice %arg5[%multiple_of3A_138] : memref<5032xi32, #tpu.memory_space<vmem>> -> memref<296xi32, #tpu.memory_space<vmem>>
    %dma_start3A_140 = arith.constant 0 : i32
    %dma_start3A_141 = arith.constant 0 : i32
    %dma_start3A_142 = tpu.memref_slice %arg2[%dma_start3A_140, %dma_start3A_141] : memref<10000x128xf32, #tpu.memory_space<hbm>> -> memref<10000x128xf32, #tpu.memory_space<hbm>>
    tpu.enqueue_indirect_dma source(%dma_start3A_142 : memref<10000x128xf32, #tpu.memory_space<hbm>>) target(%arg7 : memref<296x128xf32, #tpu.memory_space<vmem>>) offsets(%dma_start3A_139 : memref<296xi32, #tpu.memory_space<vmem>>) semaphore(%arg9 : memref<!tpu.dma_semaphore, #tpu.memory_space<semaphore_mem>>)
    %multiple_of3A_143 = arith.constant 2960 : i32
    %multiple_of3A_144 = tpu.assume_multiple %multiple_of3A_143, 8 : i32
    %dma_wait3A_145 = tpu.memref_slice %arg5[%multiple_of3A_144] : memref<5032xi32, #tpu.memory_space<vmem>> -> memref<296xi32, #tpu.memory_space<vmem>>
    %dma_wait3A_146 = arith.constant 0 : i32
    %dma_wait3A_147 = arith.constant 0 : i32
    %dma_wait3A_148 = tpu.memref_slice %arg2[%dma_wait3A_146, %dma_wait3A_147] : memref<10000x128xf32, #tpu.memory_space<hbm>> -> memref<10000x128xf32, #tpu.memory_space<hbm>>
    tpu.wait_indirect_dma semaphore(%arg8 : memref<!tpu.dma_semaphore, #tpu.memory_space<semaphore_mem>>) src(%dma_wait3A_148 : memref<10000x128xf32, #tpu.memory_space<hbm>>) dst(%arg6 : memref<296x128xf32, #tpu.memory_space<vmem>>)
    %add3A_149 = arith.addi %multiple_of3A, %multiple_of3A_144 : i32
    "tpu.region"() ({
      %run_scoped3A = tpu.sem_alloc : memref<!tpu.dma_semaphore, #tpu.memory_space<semaphore_mem>>
      %dma_start3A_222 = arith.constant 0 : i32
      %dma_start3A_223 = tpu.memref_slice %arg4[%add3A_149, %dma_start3A_222] : memref<161024x128xf32, #tpu.memory_space<hbm>> -> memref<296x128xf32, #tpu.memory_space<hbm>>
      %dma_start3A_224 = arith.constant 0 : i32
      %dma_start3A_225 = tpu.memref_slice %arg4[%add3A_149, %dma_start3A_224] : memref<161024x128xf32, #tpu.memory_space<hbm>> -> memref<296x128xf32, #tpu.memory_space<hbm>>
      tpu.enqueue_dma source(%arg6 : memref<296x128xf32, #tpu.memory_space<vmem>>) target(%dma_start3A_225 : memref<296x128xf32, #tpu.memory_space<hbm>>) target_semaphore(%run_scoped3A : memref<!tpu.dma_semaphore, #tpu.memory_space<semaphore_mem>>)
      %dma_wait3A_226 = arith.constant 0 : i32
      %dma_wait3A_227 = tpu.memref_slice %arg4[%add3A_149, %dma_wait3A_226] : memref<161024x128xf32, #tpu.memory_space<hbm>> -> memref<296x128xf32, #tpu.memory_space<hbm>>
      %dma_wait3A_228 = arith.constant 0 : i32
      %dma_wait3A_229 = tpu.memref_slice %arg4[%add3A_149, %dma_wait3A_228] : memref<161024x128xf32, #tpu.memory_space<hbm>> -> memref<296x128xf32, #tpu.memory_space<hbm>>
      tpu.wait_dma2 semaphore(%run_scoped3A : memref<!tpu.dma_semaphore, #tpu.memory_space<semaphore_mem>>) src(%arg6 : memref<296x128xf32, #tpu.memory_space<vmem>>) dst(%dma_wait3A_229 : memref<296x128xf32, #tpu.memory_space<hbm>>)
      tpu.yield
    }) : () -> ()
    %multiple_of3A_150 = arith.constant 3552 : i32
    %multiple_of3A_151 = tpu.assume_multiple %multiple_of3A_150, 8 : i32
    %dma_start3A_152 = tpu.memref_slice %arg5[%multiple_of3A_151] : memref<5032xi32, #tpu.memory_space<vmem>> -> memref<296xi32, #tpu.memory_space<vmem>>
    %dma_start3A_153 = arith.constant 0 : i32
    %dma_start3A_154 = arith.constant 0 : i32
    %dma_start3A_155 = tpu.memref_slice %arg2[%dma_start3A_153, %dma_start3A_154] : memref<10000x128xf32, #tpu.memory_space<hbm>> -> memref<10000x128xf32, #tpu.memory_space<hbm>>
    tpu.enqueue_indirect_dma source(%dma_start3A_155 : memref<10000x128xf32, #tpu.memory_space<hbm>>) target(%arg6 : memref<296x128xf32, #tpu.memory_space<vmem>>) offsets(%dma_start3A_152 : memref<296xi32, #tpu.memory_space<vmem>>) semaphore(%arg8 : memref<!tpu.dma_semaphore, #tpu.memory_space<semaphore_mem>>)
    %multiple_of3A_156 = arith.constant 3256 : i32
    %multiple_of3A_157 = tpu.assume_multiple %multiple_of3A_156, 8 : i32
    %dma_wait3A_158 = tpu.memref_slice %arg5[%multiple_of3A_157] : memref<5032xi32, #tpu.memory_space<vmem>> -> memref<296xi32, #tpu.memory_space<vmem>>
    %dma_wait3A_159 = arith.constant 0 : i32
    %dma_wait3A_160 = arith.constant 0 : i32
    %dma_wait3A_161 = tpu.memref_slice %arg2[%dma_wait3A_159, %dma_wait3A_160] : memref<10000x128xf32, #tpu.memory_space<hbm>> -> memref<10000x128xf32, #tpu.memory_space<hbm>>
    tpu.wait_indirect_dma semaphore(%arg9 : memref<!tpu.dma_semaphore, #tpu.memory_space<semaphore_mem>>) src(%dma_wait3A_161 : memref<10000x128xf32, #tpu.memory_space<hbm>>) dst(%arg7 : memref<296x128xf32, #tpu.memory_space<vmem>>)
    %add3A_162 = arith.addi %multiple_of3A, %multiple_of3A_157 : i32
    "tpu.region"() ({
      %run_scoped3A = tpu.sem_alloc : memref<!tpu.dma_semaphore, #tpu.memory_space<semaphore_mem>>
      %dma_start3A_222 = arith.constant 0 : i32
      %dma_start3A_223 = tpu.memref_slice %arg4[%add3A_162, %dma_start3A_222] : memref<161024x128xf32, #tpu.memory_space<hbm>> -> memref<296x128xf32, #tpu.memory_space<hbm>>
      %dma_start3A_224 = arith.constant 0 : i32
      %dma_start3A_225 = tpu.memref_slice %arg4[%add3A_162, %dma_start3A_224] : memref<161024x128xf32, #tpu.memory_space<hbm>> -> memref<296x128xf32, #tpu.memory_space<hbm>>
      tpu.enqueue_dma source(%arg7 : memref<296x128xf32, #tpu.memory_space<vmem>>) target(%dma_start3A_225 : memref<296x128xf32, #tpu.memory_space<hbm>>) target_semaphore(%run_scoped3A : memref<!tpu.dma_semaphore, #tpu.memory_space<semaphore_mem>>)
      %dma_wait3A_226 = arith.constant 0 : i32
      %dma_wait3A_227 = tpu.memref_slice %arg4[%add3A_162, %dma_wait3A_226] : memref<161024x128xf32, #tpu.memory_space<hbm>> -> memref<296x128xf32, #tpu.memory_space<hbm>>
      %dma_wait3A_228 = arith.constant 0 : i32
      %dma_wait3A_229 = tpu.memref_slice %arg4[%add3A_162, %dma_wait3A_228] : memref<161024x128xf32, #tpu.memory_space<hbm>> -> memref<296x128xf32, #tpu.memory_space<hbm>>
      tpu.wait_dma2 semaphore(%run_scoped3A : memref<!tpu.dma_semaphore, #tpu.memory_space<semaphore_mem>>) src(%arg7 : memref<296x128xf32, #tpu.memory_space<vmem>>) dst(%dma_wait3A_229 : memref<296x128xf32, #tpu.memory_space<hbm>>)
      tpu.yield
    }) : () -> ()
    %multiple_of3A_163 = arith.constant 3848 : i32
    %multiple_of3A_164 = tpu.assume_multiple %multiple_of3A_163, 8 : i32
    %dma_start3A_165 = tpu.memref_slice %arg5[%multiple_of3A_164] : memref<5032xi32, #tpu.memory_space<vmem>> -> memref<296xi32, #tpu.memory_space<vmem>>
    %dma_start3A_166 = arith.constant 0 : i32
    %dma_start3A_167 = arith.constant 0 : i32
    %dma_start3A_168 = tpu.memref_slice %arg2[%dma_start3A_166, %dma_start3A_167] : memref<10000x128xf32, #tpu.memory_space<hbm>> -> memref<10000x128xf32, #tpu.memory_space<hbm>>
    tpu.enqueue_indirect_dma source(%dma_start3A_168 : memref<10000x128xf32, #tpu.memory_space<hbm>>) target(%arg7 : memref<296x128xf32, #tpu.memory_space<vmem>>) offsets(%dma_start3A_165 : memref<296xi32, #tpu.memory_space<vmem>>) semaphore(%arg9 : memref<!tpu.dma_semaphore, #tpu.memory_space<semaphore_mem>>)
    %multiple_of3A_169 = arith.constant 3552 : i32
    %multiple_of3A_170 = tpu.assume_multiple %multiple_of3A_169, 8 : i32
    %dma_wait3A_171 = tpu.memref_slice %arg5[%multiple_of3A_170] : memref<5032xi32, #tpu.memory_space<vmem>> -> memref<296xi32, #tpu.memory_space<vmem>>
    %dma_wait3A_172 = arith.constant 0 : i32
    %dma_wait3A_173 = arith.constant 0 : i32
    %dma_wait3A_174 = tpu.memref_slice %arg2[%dma_wait3A_172, %dma_wait3A_173] : memref<10000x128xf32, #tpu.memory_space<hbm>> -> memref<10000x128xf32, #tpu.memory_space<hbm>>
    tpu.wait_indirect_dma semaphore(%arg8 : memref<!tpu.dma_semaphore, #tpu.memory_space<semaphore_mem>>) src(%dma_wait3A_174 : memref<10000x128xf32, #tpu.memory_space<hbm>>) dst(%arg6 : memref<296x128xf32, #tpu.memory_space<vmem>>)
    %add3A_175 = arith.addi %multiple_of3A, %multiple_of3A_170 : i32
    "tpu.region"() ({
      %run_scoped3A = tpu.sem_alloc : memref<!tpu.dma_semaphore, #tpu.memory_space<semaphore_mem>>
      %dma_start3A_222 = arith.constant 0 : i32
      %dma_start3A_223 = tpu.memref_slice %arg4[%add3A_175, %dma_start3A_222] : memref<161024x128xf32, #tpu.memory_space<hbm>> -> memref<296x128xf32, #tpu.memory_space<hbm>>
      %dma_start3A_224 = arith.constant 0 : i32
      %dma_start3A_225 = tpu.memref_slice %arg4[%add3A_175, %dma_start3A_224] : memref<161024x128xf32, #tpu.memory_space<hbm>> -> memref<296x128xf32, #tpu.memory_space<hbm>>
      tpu.enqueue_dma source(%arg6 : memref<296x128xf32, #tpu.memory_space<vmem>>) target(%dma_start3A_225 : memref<296x128xf32, #tpu.memory_space<hbm>>) target_semaphore(%run_scoped3A : memref<!tpu.dma_semaphore, #tpu.memory_space<semaphore_mem>>)
      %dma_wait3A_226 = arith.constant 0 : i32
      %dma_wait3A_227 = tpu.memref_slice %arg4[%add3A_175, %dma_wait3A_226] : memref<161024x128xf32, #tpu.memory_space<hbm>> -> memref<296x128xf32, #tpu.memory_space<hbm>>
      %dma_wait3A_228 = arith.constant 0 : i32
      %dma_wait3A_229 = tpu.memref_slice %arg4[%add3A_175, %dma_wait3A_228] : memref<161024x128xf32, #tpu.memory_space<hbm>> -> memref<296x128xf32, #tpu.memory_space<hbm>>
      tpu.wait_dma2 semaphore(%run_scoped3A : memref<!tpu.dma_semaphore, #tpu.memory_space<semaphore_mem>>) src(%arg6 : memref<296x128xf32, #tpu.memory_space<vmem>>) dst(%dma_wait3A_229 : memref<296x128xf32, #tpu.memory_space<hbm>>)
      tpu.yield
    }) : () -> ()
    %multiple_of3A_176 = arith.constant 4144 : i32
    %multiple_of3A_177 = tpu.assume_multiple %multiple_of3A_176, 8 : i32
    %dma_start3A_178 = tpu.memref_slice %arg5[%multiple_of3A_177] : memref<5032xi32, #tpu.memory_space<vmem>> -> memref<296xi32, #tpu.memory_space<vmem>>
    %dma_start3A_179 = arith.constant 0 : i32
    %dma_start3A_180 = arith.constant 0 : i32
    %dma_start3A_181 = tpu.memref_slice %arg2[%dma_start3A_179, %dma_start3A_180] : memref<10000x128xf32, #tpu.memory_space<hbm>> -> memref<10000x128xf32, #tpu.memory_space<hbm>>
    tpu.enqueue_indirect_dma source(%dma_start3A_181 : memref<10000x128xf32, #tpu.memory_space<hbm>>) target(%arg6 : memref<296x128xf32, #tpu.memory_space<vmem>>) offsets(%dma_start3A_178 : memref<296xi32, #tpu.memory_space<vmem>>) semaphore(%arg8 : memref<!tpu.dma_semaphore, #tpu.memory_space<semaphore_mem>>)
    %multiple_of3A_182 = arith.constant 3848 : i32
    %multiple_of3A_183 = tpu.assume_multiple %multiple_of3A_182, 8 : i32
    %dma_wait3A_184 = tpu.memref_slice %arg5[%multiple_of3A_183] : memref<5032xi32, #tpu.memory_space<vmem>> -> memref<296xi32, #tpu.memory_space<vmem>>
    %dma_wait3A_185 = arith.constant 0 : i32
    %dma_wait3A_186 = arith.constant 0 : i32
    %dma_wait3A_187 = tpu.memref_slice %arg2[%dma_wait3A_185, %dma_wait3A_186] : memref<10000x128xf32, #tpu.memory_space<hbm>> -> memref<10000x128xf32, #tpu.memory_space<hbm>>
    tpu.wait_indirect_dma semaphore(%arg9 : memref<!tpu.dma_semaphore, #tpu.memory_space<semaphore_mem>>) src(%dma_wait3A_187 : memref<10000x128xf32, #tpu.memory_space<hbm>>) dst(%arg7 : memref<296x128xf32, #tpu.memory_space<vmem>>)
    %add3A_188 = arith.addi %multiple_of3A, %multiple_of3A_183 : i32
    "tpu.region"() ({
      %run_scoped3A = tpu.sem_alloc : memref<!tpu.dma_semaphore, #tpu.memory_space<semaphore_mem>>
      %dma_start3A_222 = arith.constant 0 : i32
      %dma_start3A_223 = tpu.memref_slice %arg4[%add3A_188, %dma_start3A_222] : memref<161024x128xf32, #tpu.memory_space<hbm>> -> memref<296x128xf32, #tpu.memory_space<hbm>>
      %dma_start3A_224 = arith.constant 0 : i32
      %dma_start3A_225 = tpu.memref_slice %arg4[%add3A_188, %dma_start3A_224] : memref<161024x128xf32, #tpu.memory_space<hbm>> -> memref<296x128xf32, #tpu.memory_space<hbm>>
      tpu.enqueue_dma source(%arg7 : memref<296x128xf32, #tpu.memory_space<vmem>>) target(%dma_start3A_225 : memref<296x128xf32, #tpu.memory_space<hbm>>) target_semaphore(%run_scoped3A : memref<!tpu.dma_semaphore, #tpu.memory_space<semaphore_mem>>)
      %dma_wait3A_226 = arith.constant 0 : i32
      %dma_wait3A_227 = tpu.memref_slice %arg4[%add3A_188, %dma_wait3A_226] : memref<161024x128xf32, #tpu.memory_space<hbm>> -> memref<296x128xf32, #tpu.memory_space<hbm>>
      %dma_wait3A_228 = arith.constant 0 : i32
      %dma_wait3A_229 = tpu.memref_slice %arg4[%add3A_188, %dma_wait3A_228] : memref<161024x128xf32, #tpu.memory_space<hbm>> -> memref<296x128xf32, #tpu.memory_space<hbm>>
      tpu.wait_dma2 semaphore(%run_scoped3A : memref<!tpu.dma_semaphore, #tpu.memory_space<semaphore_mem>>) src(%arg7 : memref<296x128xf32, #tpu.memory_space<vmem>>) dst(%dma_wait3A_229 : memref<296x128xf32, #tpu.memory_space<hbm>>)
      tpu.yield
    }) : () -> ()
    %multiple_of3A_189 = arith.constant 4440 : i32
    %multiple_of3A_190 = tpu.assume_multiple %multiple_of3A_189, 8 : i32
    %dma_start3A_191 = tpu.memref_slice %arg5[%multiple_of3A_190] : memref<5032xi32, #tpu.memory_space<vmem>> -> memref<296xi32, #tpu.memory_space<vmem>>
    %dma_start3A_192 = arith.constant 0 : i32
    %dma_start3A_193 = arith.constant 0 : i32
    %dma_start3A_194 = tpu.memref_slice %arg2[%dma_start3A_192, %dma_start3A_193] : memref<10000x128xf32, #tpu.memory_space<hbm>> -> memref<10000x128xf32, #tpu.memory_space<hbm>>
    tpu.enqueue_indirect_dma source(%dma_start3A_194 : memref<10000x128xf32, #tpu.memory_space<hbm>>) target(%arg7 : memref<296x128xf32, #tpu.memory_space<vmem>>) offsets(%dma_start3A_191 : memref<296xi32, #tpu.memory_space<vmem>>) semaphore(%arg9 : memref<!tpu.dma_semaphore, #tpu.memory_space<semaphore_mem>>)
    %multiple_of3A_195 = arith.constant 4144 : i32
    %multiple_of3A_196 = tpu.assume_multiple %multiple_of3A_195, 8 : i32
    %dma_wait3A_197 = tpu.memref_slice %arg5[%multiple_of3A_196] : memref<5032xi32, #tpu.memory_space<vmem>> -> memref<296xi32, #tpu.memory_space<vmem>>
    %dma_wait3A_198 = arith.constant 0 : i32
    %dma_wait3A_199 = arith.constant 0 : i32
    %dma_wait3A_200 = tpu.memref_slice %arg2[%dma_wait3A_198, %dma_wait3A_199] : memref<10000x128xf32, #tpu.memory_space<hbm>> -> memref<10000x128xf32, #tpu.memory_space<hbm>>
    tpu.wait_indirect_dma semaphore(%arg8 : memref<!tpu.dma_semaphore, #tpu.memory_space<semaphore_mem>>) src(%dma_wait3A_200 : memref<10000x128xf32, #tpu.memory_space<hbm>>) dst(%arg6 : memref<296x128xf32, #tpu.memory_space<vmem>>)
    %add3A_201 = arith.addi %multiple_of3A, %multiple_of3A_196 : i32
    "tpu.region"() ({
      %run_scoped3A = tpu.sem_alloc : memref<!tpu.dma_semaphore, #tpu.memory_space<semaphore_mem>>
      %dma_start3A_222 = arith.constant 0 : i32
      %dma_start3A_223 = tpu.memref_slice %arg4[%add3A_201, %dma_start3A_222] : memref<161024x128xf32, #tpu.memory_space<hbm>> -> memref<296x128xf32, #tpu.memory_space<hbm>>
      %dma_start3A_224 = arith.constant 0 : i32
      %dma_start3A_225 = tpu.memref_slice %arg4[%add3A_201, %dma_start3A_224] : memref<161024x128xf32, #tpu.memory_space<hbm>> -> memref<296x128xf32, #tpu.memory_space<hbm>>
      tpu.enqueue_dma source(%arg6 : memref<296x128xf32, #tpu.memory_space<vmem>>) target(%dma_start3A_225 : memref<296x128xf32, #tpu.memory_space<hbm>>) target_semaphore(%run_scoped3A : memref<!tpu.dma_semaphore, #tpu.memory_space<semaphore_mem>>)
      %dma_wait3A_226 = arith.constant 0 : i32
      %dma_wait3A_227 = tpu.memref_slice %arg4[%add3A_201, %dma_wait3A_226] : memref<161024x128xf32, #tpu.memory_space<hbm>> -> memref<296x128xf32, #tpu.memory_space<hbm>>
      %dma_wait3A_228 = arith.constant 0 : i32
      %dma_wait3A_229 = tpu.memref_slice %arg4[%add3A_201, %dma_wait3A_228] : memref<161024x128xf32, #tpu.memory_space<hbm>> -> memref<296x128xf32, #tpu.memory_space<hbm>>
      tpu.wait_dma2 semaphore(%run_scoped3A : memref<!tpu.dma_semaphore, #tpu.memory_space<semaphore_mem>>) src(%arg6 : memref<296x128xf32, #tpu.memory_space<vmem>>) dst(%dma_wait3A_229 : memref<296x128xf32, #tpu.memory_space<hbm>>)
      tpu.yield
    }) : () -> ()
    %multiple_of3A_202 = arith.constant 4736 : i32
    %multiple_of3A_203 = tpu.assume_multiple %multiple_of3A_202, 8 : i32
    %dma_start3A_204 = tpu.memref_slice %arg5[%multiple_of3A_203] : memref<5032xi32, #tpu.memory_space<vmem>> -> memref<296xi32, #tpu.memory_space<vmem>>
    %dma_start3A_205 = arith.constant 0 : i32
    %dma_start3A_206 = arith.constant 0 : i32
    %dma_start3A_207 = tpu.memref_slice %arg2[%dma_start3A_205, %dma_start3A_206] : memref<10000x128xf32, #tpu.memory_space<hbm>> -> memref<10000x128xf32, #tpu.memory_space<hbm>>
    tpu.enqueue_indirect_dma source(%dma_start3A_207 : memref<10000x128xf32, #tpu.memory_space<hbm>>) target(%arg6 : memref<296x128xf32, #tpu.memory_space<vmem>>) offsets(%dma_start3A_204 : memref<296xi32, #tpu.memory_space<vmem>>) semaphore(%arg8 : memref<!tpu.dma_semaphore, #tpu.memory_space<semaphore_mem>>)
    %multiple_of3A_208 = arith.constant 4440 : i32
    %multiple_of3A_209 = tpu.assume_multiple %multiple_of3A_208, 8 : i32
    %dma_wait3A_210 = tpu.memref_slice %arg5[%multiple_of3A_209] : memref<5032xi32, #tpu.memory_space<vmem>> -> memref<296xi32, #tpu.memory_space<vmem>>
    %dma_wait3A_211 = arith.constant 0 : i32
    %dma_wait3A_212 = arith.constant 0 : i32
    %dma_wait3A_213 = tpu.memref_slice %arg2[%dma_wait3A_211, %dma_wait3A_212] : memref<10000x128xf32, #tpu.memory_space<hbm>> -> memref<10000x128xf32, #tpu.memory_space<hbm>>
    tpu.wait_indirect_dma semaphore(%arg9 : memref<!tpu.dma_semaphore, #tpu.memory_space<semaphore_mem>>) src(%dma_wait3A_213 : memref<10000x128xf32, #tpu.memory_space<hbm>>) dst(%arg7 : memref<296x128xf32, #tpu.memory_space<vmem>>)
    %add3A_214 = arith.addi %multiple_of3A, %multiple_of3A_209 : i32
    "tpu.region"() ({
      %run_scoped3A = tpu.sem_alloc : memref<!tpu.dma_semaphore, #tpu.memory_space<semaphore_mem>>
      %dma_start3A_222 = arith.constant 0 : i32
      %dma_start3A_223 = tpu.memref_slice %arg4[%add3A_214, %dma_start3A_222] : memref<161024x128xf32, #tpu.memory_space<hbm>> -> memref<296x128xf32, #tpu.memory_space<hbm>>
      %dma_start3A_224 = arith.constant 0 : i32
      %dma_start3A_225 = tpu.memref_slice %arg4[%add3A_214, %dma_start3A_224] : memref<161024x128xf32, #tpu.memory_space<hbm>> -> memref<296x128xf32, #tpu.memory_space<hbm>>
      tpu.enqueue_dma source(%arg7 : memref<296x128xf32, #tpu.memory_space<vmem>>) target(%dma_start3A_225 : memref<296x128xf32, #tpu.memory_space<hbm>>) target_semaphore(%run_scoped3A : memref<!tpu.dma_semaphore, #tpu.memory_space<semaphore_mem>>)
      %dma_wait3A_226 = arith.constant 0 : i32
      %dma_wait3A_227 = tpu.memref_slice %arg4[%add3A_214, %dma_wait3A_226] : memref<161024x128xf32, #tpu.memory_space<hbm>> -> memref<296x128xf32, #tpu.memory_space<hbm>>
      %dma_wait3A_228 = arith.constant 0 : i32
      %dma_wait3A_229 = tpu.memref_slice %arg4[%add3A_214, %dma_wait3A_228] : memref<161024x128xf32, #tpu.memory_space<hbm>> -> memref<296x128xf32, #tpu.memory_space<hbm>>
      tpu.wait_dma2 semaphore(%run_scoped3A : memref<!tpu.dma_semaphore, #tpu.memory_space<semaphore_mem>>) src(%arg7 : memref<296x128xf32, #tpu.memory_space<vmem>>) dst(%dma_wait3A_229 : memref<296x128xf32, #tpu.memory_space<hbm>>)
      tpu.yield
    }) : () -> ()
    %multiple_of3A_215 = arith.constant 4736 : i32
    %multiple_of3A_216 = tpu.assume_multiple %multiple_of3A_215, 8 : i32
    %dma_wait3A_217 = tpu.memref_slice %arg5[%multiple_of3A_216] : memref<5032xi32, #tpu.memory_space<vmem>> -> memref<296xi32, #tpu.memory_space<vmem>>
    %dma_wait3A_218 = arith.constant 0 : i32
    %dma_wait3A_219 = arith.constant 0 : i32
    %dma_wait3A_220 = tpu.memref_slice %arg2[%dma_wait3A_218, %dma_wait3A_219] : memref<10000x128xf32, #tpu.memory_space<hbm>> -> memref<10000x128xf32, #tpu.memory_space<hbm>>
    tpu.wait_indirect_dma semaphore(%arg8 : memref<!tpu.dma_semaphore, #tpu.memory_space<semaphore_mem>>) src(%dma_wait3A_220 : memref<10000x128xf32, #tpu.memory_space<hbm>>) dst(%arg6 : memref<296x128xf32, #tpu.memory_space<vmem>>)
    %add3A_221 = arith.addi %multiple_of3A, %multiple_of3A_216 : i32
    "tpu.region"() ({
      %run_scoped3A = tpu.sem_alloc : memref<!tpu.dma_semaphore, #tpu.memory_space<semaphore_mem>>
      %dma_start3A_222 = arith.constant 0 : i32
      %dma_start3A_223 = tpu.memref_slice %arg4[%add3A_221, %dma_start3A_222] : memref<161024x128xf32, #tpu.memory_space<hbm>> -> memref<296x128xf32, #tpu.memory_space<hbm>>
      %dma_start3A_224 = arith.constant 0 : i32
      %dma_start3A_225 = tpu.memref_slice %arg4[%add3A_221, %dma_start3A_224] : memref<161024x128xf32, #tpu.memory_space<hbm>> -> memref<296x128xf32, #tpu.memory_space<hbm>>
      tpu.enqueue_dma source(%arg6 : memref<296x128xf32, #tpu.memory_space<vmem>>) target(%dma_start3A_225 : memref<296x128xf32, #tpu.memory_space<hbm>>) target_semaphore(%run_scoped3A : memref<!tpu.dma_semaphore, #tpu.memory_space<semaphore_mem>>)
      %dma_wait3A_226 = arith.constant 0 : i32
      %dma_wait3A_227 = tpu.memref_slice %arg4[%add3A_221, %dma_wait3A_226] : memref<161024x128xf32, #tpu.memory_space<hbm>> -> memref<296x128xf32, #tpu.memory_space<hbm>>
      %dma_wait3A_228 = arith.constant 0 : i32
      %dma_wait3A_229 = tpu.memref_slice %arg4[%add3A_221, %dma_wait3A_228] : memref<161024x128xf32, #tpu.memory_space<hbm>> -> memref<296x128xf32, #tpu.memory_space<hbm>>
      tpu.wait_dma2 semaphore(%run_scoped3A : memref<!tpu.dma_semaphore, #tpu.memory_space<semaphore_mem>>) src(%arg6 : memref<296x128xf32, #tpu.memory_space<vmem>>) dst(%dma_wait3A_229 : memref<296x128xf32, #tpu.memory_space<hbm>>)
      tpu.yield
    }) : () -> ()
    return
  }
}

module attributes {stable_mosaic.version = 14 : i64} {
  func.func @_tc_body(%arg0: i32, %arg1: memref<4000x16xbf16, #tpu.memory_space<vmem>>, %arg2: memref<4000x128xf32, #tpu.memory_space<vmem>>, %arg3: memref<1x1x4000xi32, #tpu.memory_space<vmem>>, %arg4: memref<1024x128xf32, #tpu.memory_space<vmem>>, %arg5: memref<16x2048xbf16, #tpu.memory_space<vmem>>, %arg6: memref<8x256xf32, #tpu.memory_space<vmem>>, %arg7: memref<128x16xf32, #tpu.memory_space<vmem>>, %arg8: memref<1x16xf32, #tpu.memory_space<vmem>>, %arg9: memref<16x40xf32, #tpu.memory_space<vmem>>, %arg10: memref<1x40xf32, #tpu.memory_space<vmem>>, %arg11: memref<1024x40xf32, #tpu.memory_space<vmem>>, %arg12: memref<1024x16xf32, #tpu.memory_space<vmem>>) attributes {dimension_semantics = [#tpu.dimension_semantics<arbitrary>], iteration_bounds = array<i64: 40>, scalar_prefetch = 0 : i64, scratch_operands = 1 : i64, tpu.core_type = #tpu.core_type<tc>, window_params = [{transform_indices = @transform_0, window_bounds = array<i64: 4000, 16>}, {transform_indices = @transform_1, window_bounds = array<i64: 4000, 128>}, {transform_indices = @transform_2, window_bounds = array<i64: 1, 1, 4000>}, {pipeline_mode = #tpu.pipeline_mode<synchronous>, transform_indices = @transform_3, window_bounds = array<i64: 1024, 128>}, {pipeline_mode = #tpu.pipeline_mode<synchronous>, transform_indices = @transform_4, window_bounds = array<i64: 16, 2048>}, {pipeline_mode = #tpu.pipeline_mode<synchronous>, transform_indices = @transform_5, window_bounds = array<i64: 8, 256>}, {pipeline_mode = #tpu.pipeline_mode<synchronous>, transform_indices = @transform_6, window_bounds = array<i64: 128, 16>}, {pipeline_mode = #tpu.pipeline_mode<synchronous>, transform_indices = @transform_7, window_bounds = array<i64: 1, 16>}, {pipeline_mode = #tpu.pipeline_mode<synchronous>, transform_indices = @transform_8, window_bounds = array<i64: 16, 40>}, {pipeline_mode = #tpu.pipeline_mode<synchronous>, transform_indices = @transform_9, window_bounds = array<i64: 1, 40>}, {pipeline_mode = #tpu.pipeline_mode<synchronous>, transform_indices = @transform_10, window_bounds = array<i64: 1024, 40>}]} {
    %get3A = arith.constant 0 : index
    %get3A_0 = arith.constant 0 : index
    %get3A_1 = vector.load %arg1[%get3A, %get3A_0] : memref<4000x16xbf16, #tpu.memory_space<vmem>>, vector<4000x16xbf16>
    %get3A_2 = arith.constant 0 : index
    %get3A_3 = arith.constant 0 : index
    %get3A_4 = vector.load %arg2[%get3A_2, %get3A_3] : memref<4000x128xf32, #tpu.memory_space<vmem>>, vector<4000x128xf32>
    %iota3A = tpu.iota {dimensions = array<i32: 1>} : vector<4000x16xi32>
    %broadcast_in_dim3A = arith.constant 0.000000e+00 : f32
    %broadcast_in_dim3A_5 = vector.broadcast %broadcast_in_dim3A : f32 to vector<4000x16xf32>
    %get3A_6 = arith.constant 0 : index
    %get3A_7 = arith.constant 0 : index
    %get3A_8 = vector.load %arg5[%get3A_6, %get3A_7] : memref<16x2048xbf16, #tpu.memory_space<vmem>>, vector<16x256xbf16>
    %dot_general3A = arith.constant dense<0.000000e+00> : vector<4000x256xf32>
    %dot_general3A_9 = tpu.matmul %get3A_1, %get3A_8, %dot_general3A {dimension_numbers = #tpu.dot_dimension_numbers<[1], [0], [0], [1], [0, 0, 1, 1], [], []>, transpose_lhs_hint = false} : vector<4000x16xbf16>, vector<16x256xbf16>, vector<4000x256xf32> -> vector<4000x256xf32>
    %get3A_10 = arith.constant 0 : index
    %get3A_11 = arith.constant 0 : index
    %get3A_12 = vector.load %arg6[%get3A_10, %get3A_11] : memref<8x256xf32, #tpu.memory_space<vmem>>, vector<1x256xf32>
    %add3A = vector.broadcast %get3A_12 : vector<1x256xf32> to vector<4000x256xf32>
    %add3A_13 = arith.addf %dot_general3A_9, %add3A : vector<4000x256xf32>
    %max3A = arith.constant 0.000000e+00 : f32
    %max3A_14 = vector.broadcast %max3A : f32 to vector<4000x256xf32>
    %max3A_15 = arith.maximumf %add3A_13, %max3A_14 : vector<4000x256xf32>
    %slice3A = vector.extract_strided_slice %max3A_15 {offsets = [0, 0], sizes = [4000, 128], strides = [1, 1]} : vector<4000x256xf32> to vector<4000x128xf32>
    %mul3A = arith.mulf %slice3A, %get3A_4 : vector<4000x128xf32>
    %reduce_sum3A = arith.constant dense<0.000000e+00> : vector<4000xf32>
    %reduce_sum3A_16 = vector.multi_reduction <add>, %mul3A, %reduce_sum3A [1] : vector<4000x128xf32> to vector<4000xf32>
    %broadcast_in_dim3A_17 = vector.shape_cast %reduce_sum3A_16 : vector<4000xf32> to vector<4000x1xf32>
    %slice3A_18 = vector.extract_strided_slice %max3A_15 {offsets = [0, 128], sizes = [4000, 128], strides = [1, 1]} : vector<4000x256xf32> to vector<4000x128xf32>
    %mul3A_19 = arith.mulf %slice3A_18, %get3A_4 : vector<4000x128xf32>
    %reduce_sum3A_20 = arith.constant dense<0.000000e+00> : vector<4000xf32>
    %reduce_sum3A_21 = vector.multi_reduction <add>, %mul3A_19, %reduce_sum3A_20 [1] : vector<4000x128xf32> to vector<4000xf32>
    %broadcast_in_dim3A_22 = vector.shape_cast %reduce_sum3A_21 : vector<4000xf32> to vector<4000x1xf32>
    %eq3A = arith.constant 0 : i32
    %eq3A_23 = vector.broadcast %eq3A : i32 to vector<4000x16xi32>
    %eq3A_24 = arith.cmpi eq, %iota3A, %eq3A_23 : vector<4000x16xi32>
    %jit3A = arith.constant 0.000000e+00 : f32
    %broadcast_in_dim3A_25 = vector.shape_cast %broadcast_in_dim3A_17 : vector<4000x1xf32> to vector<4000x1xf32>
    %broadcast_in_dim3A_26 = vector.broadcast %broadcast_in_dim3A_25 : vector<4000x1xf32> to vector<4000x16xf32>
    %broadcast_in_dim3A_27 = vector.broadcast %jit3A : f32 to vector<4000x16xf32>
    %select_n3A = arith.select %eq3A_24, %broadcast_in_dim3A_26, %broadcast_in_dim3A_27 : vector<4000x16xi1>, vector<4000x16xf32>
    %add3A_28 = arith.addf %broadcast_in_dim3A_5, %select_n3A : vector<4000x16xf32>
    %eq3A_29 = arith.constant 1 : i32
    %eq3A_30 = vector.broadcast %eq3A_29 : i32 to vector<4000x16xi32>
    %eq3A_31 = arith.cmpi eq, %iota3A, %eq3A_30 : vector<4000x16xi32>
    %jit3A_32 = arith.constant 0.000000e+00 : f32
    %broadcast_in_dim3A_33 = vector.shape_cast %broadcast_in_dim3A_22 : vector<4000x1xf32> to vector<4000x1xf32>
    %broadcast_in_dim3A_34 = vector.broadcast %broadcast_in_dim3A_33 : vector<4000x1xf32> to vector<4000x16xf32>
    %broadcast_in_dim3A_35 = vector.broadcast %jit3A_32 : f32 to vector<4000x16xf32>
    %select_n3A_36 = arith.select %eq3A_31, %broadcast_in_dim3A_34, %broadcast_in_dim3A_35 : vector<4000x16xi1>, vector<4000x16xf32>
    %add3A_37 = arith.addf %add3A_28, %select_n3A_36 : vector<4000x16xf32>
    %get3A_38 = arith.constant 0 : index
    %get3A_39 = arith.constant 256 : index
    %get3A_40 = vector.load %arg5[%get3A_38, %get3A_39] : memref<16x2048xbf16, #tpu.memory_space<vmem>>, vector<16x256xbf16>
    %dot_general3A_41 = arith.constant dense<0.000000e+00> : vector<4000x256xf32>
    %dot_general3A_42 = tpu.matmul %get3A_1, %get3A_40, %dot_general3A_41 {dimension_numbers = #tpu.dot_dimension_numbers<[1], [0], [0], [1], [0, 0, 1, 1], [], []>, transpose_lhs_hint = false} : vector<4000x16xbf16>, vector<16x256xbf16>, vector<4000x256xf32> -> vector<4000x256xf32>
    %get3A_43 = arith.constant 1 : index
    %get3A_44 = arith.constant 0 : index
    %get3A_45 = vector.load %arg6[%get3A_43, %get3A_44] : memref<8x256xf32, #tpu.memory_space<vmem>>, vector<1x256xf32>
    %add3A_46 = vector.broadcast %get3A_45 : vector<1x256xf32> to vector<4000x256xf32>
    %add3A_47 = arith.addf %dot_general3A_42, %add3A_46 : vector<4000x256xf32>
    %max3A_48 = arith.constant 0.000000e+00 : f32
    %max3A_49 = vector.broadcast %max3A_48 : f32 to vector<4000x256xf32>
    %max3A_50 = arith.maximumf %add3A_47, %max3A_49 : vector<4000x256xf32>
    %slice3A_51 = vector.extract_strided_slice %max3A_50 {offsets = [0, 0], sizes = [4000, 128], strides = [1, 1]} : vector<4000x256xf32> to vector<4000x128xf32>
    %mul3A_52 = arith.mulf %slice3A_51, %get3A_4 : vector<4000x128xf32>
    %reduce_sum3A_53 = arith.constant dense<0.000000e+00> : vector<4000xf32>
    %reduce_sum3A_54 = vector.multi_reduction <add>, %mul3A_52, %reduce_sum3A_53 [1] : vector<4000x128xf32> to vector<4000xf32>
    %broadcast_in_dim3A_55 = vector.shape_cast %reduce_sum3A_54 : vector<4000xf32> to vector<4000x1xf32>
    %slice3A_56 = vector.extract_strided_slice %max3A_50 {offsets = [0, 128], sizes = [4000, 128], strides = [1, 1]} : vector<4000x256xf32> to vector<4000x128xf32>
    %mul3A_57 = arith.mulf %slice3A_56, %get3A_4 : vector<4000x128xf32>
    %reduce_sum3A_58 = arith.constant dense<0.000000e+00> : vector<4000xf32>
    %reduce_sum3A_59 = vector.multi_reduction <add>, %mul3A_57, %reduce_sum3A_58 [1] : vector<4000x128xf32> to vector<4000xf32>
    %broadcast_in_dim3A_60 = vector.shape_cast %reduce_sum3A_59 : vector<4000xf32> to vector<4000x1xf32>
    %eq3A_61 = arith.constant 2 : i32
    %eq3A_62 = vector.broadcast %eq3A_61 : i32 to vector<4000x16xi32>
    %eq3A_63 = arith.cmpi eq, %iota3A, %eq3A_62 : vector<4000x16xi32>
    %jit3A_64 = arith.constant 0.000000e+00 : f32
    %broadcast_in_dim3A_65 = vector.shape_cast %broadcast_in_dim3A_55 : vector<4000x1xf32> to vector<4000x1xf32>
    %broadcast_in_dim3A_66 = vector.broadcast %broadcast_in_dim3A_65 : vector<4000x1xf32> to vector<4000x16xf32>
    %broadcast_in_dim3A_67 = vector.broadcast %jit3A_64 : f32 to vector<4000x16xf32>
    %select_n3A_68 = arith.select %eq3A_63, %broadcast_in_dim3A_66, %broadcast_in_dim3A_67 : vector<4000x16xi1>, vector<4000x16xf32>
    %add3A_69 = arith.addf %add3A_37, %select_n3A_68 : vector<4000x16xf32>
    %eq3A_70 = arith.constant 3 : i32
    %eq3A_71 = vector.broadcast %eq3A_70 : i32 to vector<4000x16xi32>
    %eq3A_72 = arith.cmpi eq, %iota3A, %eq3A_71 : vector<4000x16xi32>
    %jit3A_73 = arith.constant 0.000000e+00 : f32
    %broadcast_in_dim3A_74 = vector.shape_cast %broadcast_in_dim3A_60 : vector<4000x1xf32> to vector<4000x1xf32>
    %broadcast_in_dim3A_75 = vector.broadcast %broadcast_in_dim3A_74 : vector<4000x1xf32> to vector<4000x16xf32>
    %broadcast_in_dim3A_76 = vector.broadcast %jit3A_73 : f32 to vector<4000x16xf32>
    %select_n3A_77 = arith.select %eq3A_72, %broadcast_in_dim3A_75, %broadcast_in_dim3A_76 : vector<4000x16xi1>, vector<4000x16xf32>
    %add3A_78 = arith.addf %add3A_69, %select_n3A_77 : vector<4000x16xf32>
    %get3A_79 = arith.constant 0 : index
    %get3A_80 = arith.constant 512 : index
    %get3A_81 = vector.load %arg5[%get3A_79, %get3A_80] : memref<16x2048xbf16, #tpu.memory_space<vmem>>, vector<16x256xbf16>
    %dot_general3A_82 = arith.constant dense<0.000000e+00> : vector<4000x256xf32>
    %dot_general3A_83 = tpu.matmul %get3A_1, %get3A_81, %dot_general3A_82 {dimension_numbers = #tpu.dot_dimension_numbers<[1], [0], [0], [1], [0, 0, 1, 1], [], []>, transpose_lhs_hint = false} : vector<4000x16xbf16>, vector<16x256xbf16>, vector<4000x256xf32> -> vector<4000x256xf32>
    %get3A_84 = arith.constant 2 : index
    %get3A_85 = arith.constant 0 : index
    %get3A_86 = vector.load %arg6[%get3A_84, %get3A_85] : memref<8x256xf32, #tpu.memory_space<vmem>>, vector<1x256xf32>
    %add3A_87 = vector.broadcast %get3A_86 : vector<1x256xf32> to vector<4000x256xf32>
    %add3A_88 = arith.addf %dot_general3A_83, %add3A_87 : vector<4000x256xf32>
    %max3A_89 = arith.constant 0.000000e+00 : f32
    %max3A_90 = vector.broadcast %max3A_89 : f32 to vector<4000x256xf32>
    %max3A_91 = arith.maximumf %add3A_88, %max3A_90 : vector<4000x256xf32>
    %slice3A_92 = vector.extract_strided_slice %max3A_91 {offsets = [0, 0], sizes = [4000, 128], strides = [1, 1]} : vector<4000x256xf32> to vector<4000x128xf32>
    %mul3A_93 = arith.mulf %slice3A_92, %get3A_4 : vector<4000x128xf32>
    %reduce_sum3A_94 = arith.constant dense<0.000000e+00> : vector<4000xf32>
    %reduce_sum3A_95 = vector.multi_reduction <add>, %mul3A_93, %reduce_sum3A_94 [1] : vector<4000x128xf32> to vector<4000xf32>
    %broadcast_in_dim3A_96 = vector.shape_cast %reduce_sum3A_95 : vector<4000xf32> to vector<4000x1xf32>
    %slice3A_97 = vector.extract_strided_slice %max3A_91 {offsets = [0, 128], sizes = [4000, 128], strides = [1, 1]} : vector<4000x256xf32> to vector<4000x128xf32>
    %mul3A_98 = arith.mulf %slice3A_97, %get3A_4 : vector<4000x128xf32>
    %reduce_sum3A_99 = arith.constant dense<0.000000e+00> : vector<4000xf32>
    %reduce_sum3A_100 = vector.multi_reduction <add>, %mul3A_98, %reduce_sum3A_99 [1] : vector<4000x128xf32> to vector<4000xf32>
    %broadcast_in_dim3A_101 = vector.shape_cast %reduce_sum3A_100 : vector<4000xf32> to vector<4000x1xf32>
    %eq3A_102 = arith.constant 4 : i32
    %eq3A_103 = vector.broadcast %eq3A_102 : i32 to vector<4000x16xi32>
    %eq3A_104 = arith.cmpi eq, %iota3A, %eq3A_103 : vector<4000x16xi32>
    %jit3A_105 = arith.constant 0.000000e+00 : f32
    %broadcast_in_dim3A_106 = vector.shape_cast %broadcast_in_dim3A_96 : vector<4000x1xf32> to vector<4000x1xf32>
    %broadcast_in_dim3A_107 = vector.broadcast %broadcast_in_dim3A_106 : vector<4000x1xf32> to vector<4000x16xf32>
    %broadcast_in_dim3A_108 = vector.broadcast %jit3A_105 : f32 to vector<4000x16xf32>
    %select_n3A_109 = arith.select %eq3A_104, %broadcast_in_dim3A_107, %broadcast_in_dim3A_108 : vector<4000x16xi1>, vector<4000x16xf32>
    %add3A_110 = arith.addf %add3A_78, %select_n3A_109 : vector<4000x16xf32>
    %eq3A_111 = arith.constant 5 : i32
    %eq3A_112 = vector.broadcast %eq3A_111 : i32 to vector<4000x16xi32>
    %eq3A_113 = arith.cmpi eq, %iota3A, %eq3A_112 : vector<4000x16xi32>
    %jit3A_114 = arith.constant 0.000000e+00 : f32
    %broadcast_in_dim3A_115 = vector.shape_cast %broadcast_in_dim3A_101 : vector<4000x1xf32> to vector<4000x1xf32>
    %broadcast_in_dim3A_116 = vector.broadcast %broadcast_in_dim3A_115 : vector<4000x1xf32> to vector<4000x16xf32>
    %broadcast_in_dim3A_117 = vector.broadcast %jit3A_114 : f32 to vector<4000x16xf32>
    %select_n3A_118 = arith.select %eq3A_113, %broadcast_in_dim3A_116, %broadcast_in_dim3A_117 : vector<4000x16xi1>, vector<4000x16xf32>
    %add3A_119 = arith.addf %add3A_110, %select_n3A_118 : vector<4000x16xf32>
    %get3A_120 = arith.constant 0 : index
    %get3A_121 = arith.constant 768 : index
    %get3A_122 = vector.load %arg5[%get3A_120, %get3A_121] : memref<16x2048xbf16, #tpu.memory_space<vmem>>, vector<16x256xbf16>
    %dot_general3A_123 = arith.constant dense<0.000000e+00> : vector<4000x256xf32>
    %dot_general3A_124 = tpu.matmul %get3A_1, %get3A_122, %dot_general3A_123 {dimension_numbers = #tpu.dot_dimension_numbers<[1], [0], [0], [1], [0, 0, 1, 1], [], []>, transpose_lhs_hint = false} : vector<4000x16xbf16>, vector<16x256xbf16>, vector<4000x256xf32> -> vector<4000x256xf32>
    %get3A_125 = arith.constant 3 : index
    %get3A_126 = arith.constant 0 : index
    %get3A_127 = vector.load %arg6[%get3A_125, %get3A_126] : memref<8x256xf32, #tpu.memory_space<vmem>>, vector<1x256xf32>
    %add3A_128 = vector.broadcast %get3A_127 : vector<1x256xf32> to vector<4000x256xf32>
    %add3A_129 = arith.addf %dot_general3A_124, %add3A_128 : vector<4000x256xf32>
    %max3A_130 = arith.constant 0.000000e+00 : f32
    %max3A_131 = vector.broadcast %max3A_130 : f32 to vector<4000x256xf32>
    %max3A_132 = arith.maximumf %add3A_129, %max3A_131 : vector<4000x256xf32>
    %slice3A_133 = vector.extract_strided_slice %max3A_132 {offsets = [0, 0], sizes = [4000, 128], strides = [1, 1]} : vector<4000x256xf32> to vector<4000x128xf32>
    %mul3A_134 = arith.mulf %slice3A_133, %get3A_4 : vector<4000x128xf32>
    %reduce_sum3A_135 = arith.constant dense<0.000000e+00> : vector<4000xf32>
    %reduce_sum3A_136 = vector.multi_reduction <add>, %mul3A_134, %reduce_sum3A_135 [1] : vector<4000x128xf32> to vector<4000xf32>
    %broadcast_in_dim3A_137 = vector.shape_cast %reduce_sum3A_136 : vector<4000xf32> to vector<4000x1xf32>
    %slice3A_138 = vector.extract_strided_slice %max3A_132 {offsets = [0, 128], sizes = [4000, 128], strides = [1, 1]} : vector<4000x256xf32> to vector<4000x128xf32>
    %mul3A_139 = arith.mulf %slice3A_138, %get3A_4 : vector<4000x128xf32>
    %reduce_sum3A_140 = arith.constant dense<0.000000e+00> : vector<4000xf32>
    %reduce_sum3A_141 = vector.multi_reduction <add>, %mul3A_139, %reduce_sum3A_140 [1] : vector<4000x128xf32> to vector<4000xf32>
    %broadcast_in_dim3A_142 = vector.shape_cast %reduce_sum3A_141 : vector<4000xf32> to vector<4000x1xf32>
    %eq3A_143 = arith.constant 6 : i32
    %eq3A_144 = vector.broadcast %eq3A_143 : i32 to vector<4000x16xi32>
    %eq3A_145 = arith.cmpi eq, %iota3A, %eq3A_144 : vector<4000x16xi32>
    %jit3A_146 = arith.constant 0.000000e+00 : f32
    %broadcast_in_dim3A_147 = vector.shape_cast %broadcast_in_dim3A_137 : vector<4000x1xf32> to vector<4000x1xf32>
    %broadcast_in_dim3A_148 = vector.broadcast %broadcast_in_dim3A_147 : vector<4000x1xf32> to vector<4000x16xf32>
    %broadcast_in_dim3A_149 = vector.broadcast %jit3A_146 : f32 to vector<4000x16xf32>
    %select_n3A_150 = arith.select %eq3A_145, %broadcast_in_dim3A_148, %broadcast_in_dim3A_149 : vector<4000x16xi1>, vector<4000x16xf32>
    %add3A_151 = arith.addf %add3A_119, %select_n3A_150 : vector<4000x16xf32>
    %eq3A_152 = arith.constant 7 : i32
    %eq3A_153 = vector.broadcast %eq3A_152 : i32 to vector<4000x16xi32>
    %eq3A_154 = arith.cmpi eq, %iota3A, %eq3A_153 : vector<4000x16xi32>
    %jit3A_155 = arith.constant 0.000000e+00 : f32
    %broadcast_in_dim3A_156 = vector.shape_cast %broadcast_in_dim3A_142 : vector<4000x1xf32> to vector<4000x1xf32>
    %broadcast_in_dim3A_157 = vector.broadcast %broadcast_in_dim3A_156 : vector<4000x1xf32> to vector<4000x16xf32>
    %broadcast_in_dim3A_158 = vector.broadcast %jit3A_155 : f32 to vector<4000x16xf32>
    %select_n3A_159 = arith.select %eq3A_154, %broadcast_in_dim3A_157, %broadcast_in_dim3A_158 : vector<4000x16xi1>, vector<4000x16xf32>
    %add3A_160 = arith.addf %add3A_151, %select_n3A_159 : vector<4000x16xf32>
    %get3A_161 = arith.constant 0 : index
    %get3A_162 = arith.constant 1024 : index
    %get3A_163 = vector.load %arg5[%get3A_161, %get3A_162] : memref<16x2048xbf16, #tpu.memory_space<vmem>>, vector<16x256xbf16>
    %dot_general3A_164 = arith.constant dense<0.000000e+00> : vector<4000x256xf32>
    %dot_general3A_165 = tpu.matmul %get3A_1, %get3A_163, %dot_general3A_164 {dimension_numbers = #tpu.dot_dimension_numbers<[1], [0], [0], [1], [0, 0, 1, 1], [], []>, transpose_lhs_hint = false} : vector<4000x16xbf16>, vector<16x256xbf16>, vector<4000x256xf32> -> vector<4000x256xf32>
    %get3A_166 = arith.constant 4 : index
    %get3A_167 = arith.constant 0 : index
    %get3A_168 = vector.load %arg6[%get3A_166, %get3A_167] : memref<8x256xf32, #tpu.memory_space<vmem>>, vector<1x256xf32>
    %add3A_169 = vector.broadcast %get3A_168 : vector<1x256xf32> to vector<4000x256xf32>
    %add3A_170 = arith.addf %dot_general3A_165, %add3A_169 : vector<4000x256xf32>
    %max3A_171 = arith.constant 0.000000e+00 : f32
    %max3A_172 = vector.broadcast %max3A_171 : f32 to vector<4000x256xf32>
    %max3A_173 = arith.maximumf %add3A_170, %max3A_172 : vector<4000x256xf32>
    %slice3A_174 = vector.extract_strided_slice %max3A_173 {offsets = [0, 0], sizes = [4000, 128], strides = [1, 1]} : vector<4000x256xf32> to vector<4000x128xf32>
    %mul3A_175 = arith.mulf %slice3A_174, %get3A_4 : vector<4000x128xf32>
    %reduce_sum3A_176 = arith.constant dense<0.000000e+00> : vector<4000xf32>
    %reduce_sum3A_177 = vector.multi_reduction <add>, %mul3A_175, %reduce_sum3A_176 [1] : vector<4000x128xf32> to vector<4000xf32>
    %broadcast_in_dim3A_178 = vector.shape_cast %reduce_sum3A_177 : vector<4000xf32> to vector<4000x1xf32>
    %slice3A_179 = vector.extract_strided_slice %max3A_173 {offsets = [0, 128], sizes = [4000, 128], strides = [1, 1]} : vector<4000x256xf32> to vector<4000x128xf32>
    %mul3A_180 = arith.mulf %slice3A_179, %get3A_4 : vector<4000x128xf32>
    %reduce_sum3A_181 = arith.constant dense<0.000000e+00> : vector<4000xf32>
    %reduce_sum3A_182 = vector.multi_reduction <add>, %mul3A_180, %reduce_sum3A_181 [1] : vector<4000x128xf32> to vector<4000xf32>
    %broadcast_in_dim3A_183 = vector.shape_cast %reduce_sum3A_182 : vector<4000xf32> to vector<4000x1xf32>
    %eq3A_184 = arith.constant 8 : i32
    %eq3A_185 = vector.broadcast %eq3A_184 : i32 to vector<4000x16xi32>
    %eq3A_186 = arith.cmpi eq, %iota3A, %eq3A_185 : vector<4000x16xi32>
    %jit3A_187 = arith.constant 0.000000e+00 : f32
    %broadcast_in_dim3A_188 = vector.shape_cast %broadcast_in_dim3A_178 : vector<4000x1xf32> to vector<4000x1xf32>
    %broadcast_in_dim3A_189 = vector.broadcast %broadcast_in_dim3A_188 : vector<4000x1xf32> to vector<4000x16xf32>
    %broadcast_in_dim3A_190 = vector.broadcast %jit3A_187 : f32 to vector<4000x16xf32>
    %select_n3A_191 = arith.select %eq3A_186, %broadcast_in_dim3A_189, %broadcast_in_dim3A_190 : vector<4000x16xi1>, vector<4000x16xf32>
    %add3A_192 = arith.addf %add3A_160, %select_n3A_191 : vector<4000x16xf32>
    %eq3A_193 = arith.constant 9 : i32
    %eq3A_194 = vector.broadcast %eq3A_193 : i32 to vector<4000x16xi32>
    %eq3A_195 = arith.cmpi eq, %iota3A, %eq3A_194 : vector<4000x16xi32>
    %jit3A_196 = arith.constant 0.000000e+00 : f32
    %broadcast_in_dim3A_197 = vector.shape_cast %broadcast_in_dim3A_183 : vector<4000x1xf32> to vector<4000x1xf32>
    %broadcast_in_dim3A_198 = vector.broadcast %broadcast_in_dim3A_197 : vector<4000x1xf32> to vector<4000x16xf32>
    %broadcast_in_dim3A_199 = vector.broadcast %jit3A_196 : f32 to vector<4000x16xf32>
    %select_n3A_200 = arith.select %eq3A_195, %broadcast_in_dim3A_198, %broadcast_in_dim3A_199 : vector<4000x16xi1>, vector<4000x16xf32>
    %add3A_201 = arith.addf %add3A_192, %select_n3A_200 : vector<4000x16xf32>
    %get3A_202 = arith.constant 0 : index
    %get3A_203 = arith.constant 1280 : index
    %get3A_204 = vector.load %arg5[%get3A_202, %get3A_203] : memref<16x2048xbf16, #tpu.memory_space<vmem>>, vector<16x256xbf16>
    %dot_general3A_205 = arith.constant dense<0.000000e+00> : vector<4000x256xf32>
    %dot_general3A_206 = tpu.matmul %get3A_1, %get3A_204, %dot_general3A_205 {dimension_numbers = #tpu.dot_dimension_numbers<[1], [0], [0], [1], [0, 0, 1, 1], [], []>, transpose_lhs_hint = false} : vector<4000x16xbf16>, vector<16x256xbf16>, vector<4000x256xf32> -> vector<4000x256xf32>
    %get3A_207 = arith.constant 5 : index
    %get3A_208 = arith.constant 0 : index
    %get3A_209 = vector.load %arg6[%get3A_207, %get3A_208] : memref<8x256xf32, #tpu.memory_space<vmem>>, vector<1x256xf32>
    %add3A_210 = vector.broadcast %get3A_209 : vector<1x256xf32> to vector<4000x256xf32>
    %add3A_211 = arith.addf %dot_general3A_206, %add3A_210 : vector<4000x256xf32>
    %max3A_212 = arith.constant 0.000000e+00 : f32
    %max3A_213 = vector.broadcast %max3A_212 : f32 to vector<4000x256xf32>
    %max3A_214 = arith.maximumf %add3A_211, %max3A_213 : vector<4000x256xf32>
    %slice3A_215 = vector.extract_strided_slice %max3A_214 {offsets = [0, 0], sizes = [4000, 128], strides = [1, 1]} : vector<4000x256xf32> to vector<4000x128xf32>
    %mul3A_216 = arith.mulf %slice3A_215, %get3A_4 : vector<4000x128xf32>
    %reduce_sum3A_217 = arith.constant dense<0.000000e+00> : vector<4000xf32>
    %reduce_sum3A_218 = vector.multi_reduction <add>, %mul3A_216, %reduce_sum3A_217 [1] : vector<4000x128xf32> to vector<4000xf32>
    %broadcast_in_dim3A_219 = vector.shape_cast %reduce_sum3A_218 : vector<4000xf32> to vector<4000x1xf32>
    %slice3A_220 = vector.extract_strided_slice %max3A_214 {offsets = [0, 128], sizes = [4000, 128], strides = [1, 1]} : vector<4000x256xf32> to vector<4000x128xf32>
    %mul3A_221 = arith.mulf %slice3A_220, %get3A_4 : vector<4000x128xf32>
    %reduce_sum3A_222 = arith.constant dense<0.000000e+00> : vector<4000xf32>
    %reduce_sum3A_223 = vector.multi_reduction <add>, %mul3A_221, %reduce_sum3A_222 [1] : vector<4000x128xf32> to vector<4000xf32>
    %broadcast_in_dim3A_224 = vector.shape_cast %reduce_sum3A_223 : vector<4000xf32> to vector<4000x1xf32>
    %eq3A_225 = arith.constant 10 : i32
    %eq3A_226 = vector.broadcast %eq3A_225 : i32 to vector<4000x16xi32>
    %eq3A_227 = arith.cmpi eq, %iota3A, %eq3A_226 : vector<4000x16xi32>
    %jit3A_228 = arith.constant 0.000000e+00 : f32
    %broadcast_in_dim3A_229 = vector.shape_cast %broadcast_in_dim3A_219 : vector<4000x1xf32> to vector<4000x1xf32>
    %broadcast_in_dim3A_230 = vector.broadcast %broadcast_in_dim3A_229 : vector<4000x1xf32> to vector<4000x16xf32>
    %broadcast_in_dim3A_231 = vector.broadcast %jit3A_228 : f32 to vector<4000x16xf32>
    %select_n3A_232 = arith.select %eq3A_227, %broadcast_in_dim3A_230, %broadcast_in_dim3A_231 : vector<4000x16xi1>, vector<4000x16xf32>
    %add3A_233 = arith.addf %add3A_201, %select_n3A_232 : vector<4000x16xf32>
    %eq3A_234 = arith.constant 11 : i32
    %eq3A_235 = vector.broadcast %eq3A_234 : i32 to vector<4000x16xi32>
    %eq3A_236 = arith.cmpi eq, %iota3A, %eq3A_235 : vector<4000x16xi32>
    %jit3A_237 = arith.constant 0.000000e+00 : f32
    %broadcast_in_dim3A_238 = vector.shape_cast %broadcast_in_dim3A_224 : vector<4000x1xf32> to vector<4000x1xf32>
    %broadcast_in_dim3A_239 = vector.broadcast %broadcast_in_dim3A_238 : vector<4000x1xf32> to vector<4000x16xf32>
    %broadcast_in_dim3A_240 = vector.broadcast %jit3A_237 : f32 to vector<4000x16xf32>
    %select_n3A_241 = arith.select %eq3A_236, %broadcast_in_dim3A_239, %broadcast_in_dim3A_240 : vector<4000x16xi1>, vector<4000x16xf32>
    %add3A_242 = arith.addf %add3A_233, %select_n3A_241 : vector<4000x16xf32>
    %get3A_243 = arith.constant 0 : index
    %get3A_244 = arith.constant 1536 : index
    %get3A_245 = vector.load %arg5[%get3A_243, %get3A_244] : memref<16x2048xbf16, #tpu.memory_space<vmem>>, vector<16x256xbf16>
    %dot_general3A_246 = arith.constant dense<0.000000e+00> : vector<4000x256xf32>
    %dot_general3A_247 = tpu.matmul %get3A_1, %get3A_245, %dot_general3A_246 {dimension_numbers = #tpu.dot_dimension_numbers<[1], [0], [0], [1], [0, 0, 1, 1], [], []>, transpose_lhs_hint = false} : vector<4000x16xbf16>, vector<16x256xbf16>, vector<4000x256xf32> -> vector<4000x256xf32>
    %get3A_248 = arith.constant 6 : index
    %get3A_249 = arith.constant 0 : index
    %get3A_250 = vector.load %arg6[%get3A_248, %get3A_249] : memref<8x256xf32, #tpu.memory_space<vmem>>, vector<1x256xf32>
    %add3A_251 = vector.broadcast %get3A_250 : vector<1x256xf32> to vector<4000x256xf32>
    %add3A_252 = arith.addf %dot_general3A_247, %add3A_251 : vector<4000x256xf32>
    %max3A_253 = arith.constant 0.000000e+00 : f32
    %max3A_254 = vector.broadcast %max3A_253 : f32 to vector<4000x256xf32>
    %max3A_255 = arith.maximumf %add3A_252, %max3A_254 : vector<4000x256xf32>
    %slice3A_256 = vector.extract_strided_slice %max3A_255 {offsets = [0, 0], sizes = [4000, 128], strides = [1, 1]} : vector<4000x256xf32> to vector<4000x128xf32>
    %mul3A_257 = arith.mulf %slice3A_256, %get3A_4 : vector<4000x128xf32>
    %reduce_sum3A_258 = arith.constant dense<0.000000e+00> : vector<4000xf32>
    %reduce_sum3A_259 = vector.multi_reduction <add>, %mul3A_257, %reduce_sum3A_258 [1] : vector<4000x128xf32> to vector<4000xf32>
    %broadcast_in_dim3A_260 = vector.shape_cast %reduce_sum3A_259 : vector<4000xf32> to vector<4000x1xf32>
    %slice3A_261 = vector.extract_strided_slice %max3A_255 {offsets = [0, 128], sizes = [4000, 128], strides = [1, 1]} : vector<4000x256xf32> to vector<4000x128xf32>
    %mul3A_262 = arith.mulf %slice3A_261, %get3A_4 : vector<4000x128xf32>
    %reduce_sum3A_263 = arith.constant dense<0.000000e+00> : vector<4000xf32>
    %reduce_sum3A_264 = vector.multi_reduction <add>, %mul3A_262, %reduce_sum3A_263 [1] : vector<4000x128xf32> to vector<4000xf32>
    %broadcast_in_dim3A_265 = vector.shape_cast %reduce_sum3A_264 : vector<4000xf32> to vector<4000x1xf32>
    %eq3A_266 = arith.constant 12 : i32
    %eq3A_267 = vector.broadcast %eq3A_266 : i32 to vector<4000x16xi32>
    %eq3A_268 = arith.cmpi eq, %iota3A, %eq3A_267 : vector<4000x16xi32>
    %jit3A_269 = arith.constant 0.000000e+00 : f32
    %broadcast_in_dim3A_270 = vector.shape_cast %broadcast_in_dim3A_260 : vector<4000x1xf32> to vector<4000x1xf32>
    %broadcast_in_dim3A_271 = vector.broadcast %broadcast_in_dim3A_270 : vector<4000x1xf32> to vector<4000x16xf32>
    %broadcast_in_dim3A_272 = vector.broadcast %jit3A_269 : f32 to vector<4000x16xf32>
    %select_n3A_273 = arith.select %eq3A_268, %broadcast_in_dim3A_271, %broadcast_in_dim3A_272 : vector<4000x16xi1>, vector<4000x16xf32>
    %add3A_274 = arith.addf %add3A_242, %select_n3A_273 : vector<4000x16xf32>
    %eq3A_275 = arith.constant 13 : i32
    %eq3A_276 = vector.broadcast %eq3A_275 : i32 to vector<4000x16xi32>
    %eq3A_277 = arith.cmpi eq, %iota3A, %eq3A_276 : vector<4000x16xi32>
    %jit3A_278 = arith.constant 0.000000e+00 : f32
    %broadcast_in_dim3A_279 = vector.shape_cast %broadcast_in_dim3A_265 : vector<4000x1xf32> to vector<4000x1xf32>
    %broadcast_in_dim3A_280 = vector.broadcast %broadcast_in_dim3A_279 : vector<4000x1xf32> to vector<4000x16xf32>
    %broadcast_in_dim3A_281 = vector.broadcast %jit3A_278 : f32 to vector<4000x16xf32>
    %select_n3A_282 = arith.select %eq3A_277, %broadcast_in_dim3A_280, %broadcast_in_dim3A_281 : vector<4000x16xi1>, vector<4000x16xf32>
    %add3A_283 = arith.addf %add3A_274, %select_n3A_282 : vector<4000x16xf32>
    %get3A_284 = arith.constant 0 : index
    %get3A_285 = arith.constant 1792 : index
    %get3A_286 = vector.load %arg5[%get3A_284, %get3A_285] : memref<16x2048xbf16, #tpu.memory_space<vmem>>, vector<16x256xbf16>
    %dot_general3A_287 = arith.constant dense<0.000000e+00> : vector<4000x256xf32>
    %dot_general3A_288 = tpu.matmul %get3A_1, %get3A_286, %dot_general3A_287 {dimension_numbers = #tpu.dot_dimension_numbers<[1], [0], [0], [1], [0, 0, 1, 1], [], []>, transpose_lhs_hint = false} : vector<4000x16xbf16>, vector<16x256xbf16>, vector<4000x256xf32> -> vector<4000x256xf32>
    %get3A_289 = arith.constant 7 : index
    %get3A_290 = arith.constant 0 : index
    %get3A_291 = vector.load %arg6[%get3A_289, %get3A_290] : memref<8x256xf32, #tpu.memory_space<vmem>>, vector<1x256xf32>
    %add3A_292 = vector.broadcast %get3A_291 : vector<1x256xf32> to vector<4000x256xf32>
    %add3A_293 = arith.addf %dot_general3A_288, %add3A_292 : vector<4000x256xf32>
    %max3A_294 = arith.constant 0.000000e+00 : f32
    %max3A_295 = vector.broadcast %max3A_294 : f32 to vector<4000x256xf32>
    %max3A_296 = arith.maximumf %add3A_293, %max3A_295 : vector<4000x256xf32>
    %slice3A_297 = vector.extract_strided_slice %max3A_296 {offsets = [0, 0], sizes = [4000, 128], strides = [1, 1]} : vector<4000x256xf32> to vector<4000x128xf32>
    %mul3A_298 = arith.mulf %slice3A_297, %get3A_4 : vector<4000x128xf32>
    %reduce_sum3A_299 = arith.constant dense<0.000000e+00> : vector<4000xf32>
    %reduce_sum3A_300 = vector.multi_reduction <add>, %mul3A_298, %reduce_sum3A_299 [1] : vector<4000x128xf32> to vector<4000xf32>
    %broadcast_in_dim3A_301 = vector.shape_cast %reduce_sum3A_300 : vector<4000xf32> to vector<4000x1xf32>
    %slice3A_302 = vector.extract_strided_slice %max3A_296 {offsets = [0, 128], sizes = [4000, 128], strides = [1, 1]} : vector<4000x256xf32> to vector<4000x128xf32>
    %mul3A_303 = arith.mulf %slice3A_302, %get3A_4 : vector<4000x128xf32>
    %reduce_sum3A_304 = arith.constant dense<0.000000e+00> : vector<4000xf32>
    %reduce_sum3A_305 = vector.multi_reduction <add>, %mul3A_303, %reduce_sum3A_304 [1] : vector<4000x128xf32> to vector<4000xf32>
    %broadcast_in_dim3A_306 = vector.shape_cast %reduce_sum3A_305 : vector<4000xf32> to vector<4000x1xf32>
    %eq3A_307 = arith.constant 14 : i32
    %eq3A_308 = vector.broadcast %eq3A_307 : i32 to vector<4000x16xi32>
    %eq3A_309 = arith.cmpi eq, %iota3A, %eq3A_308 : vector<4000x16xi32>
    %jit3A_310 = arith.constant 0.000000e+00 : f32
    %broadcast_in_dim3A_311 = vector.shape_cast %broadcast_in_dim3A_301 : vector<4000x1xf32> to vector<4000x1xf32>
    %broadcast_in_dim3A_312 = vector.broadcast %broadcast_in_dim3A_311 : vector<4000x1xf32> to vector<4000x16xf32>
    %broadcast_in_dim3A_313 = vector.broadcast %jit3A_310 : f32 to vector<4000x16xf32>
    %select_n3A_314 = arith.select %eq3A_309, %broadcast_in_dim3A_312, %broadcast_in_dim3A_313 : vector<4000x16xi1>, vector<4000x16xf32>
    %add3A_315 = arith.addf %add3A_283, %select_n3A_314 : vector<4000x16xf32>
    %eq3A_316 = arith.constant 15 : i32
    %eq3A_317 = vector.broadcast %eq3A_316 : i32 to vector<4000x16xi32>
    %eq3A_318 = arith.cmpi eq, %iota3A, %eq3A_317 : vector<4000x16xi32>
    %jit3A_319 = arith.constant 0.000000e+00 : f32
    %broadcast_in_dim3A_320 = vector.shape_cast %broadcast_in_dim3A_306 : vector<4000x1xf32> to vector<4000x1xf32>
    %broadcast_in_dim3A_321 = vector.broadcast %broadcast_in_dim3A_320 : vector<4000x1xf32> to vector<4000x16xf32>
    %broadcast_in_dim3A_322 = vector.broadcast %jit3A_319 : f32 to vector<4000x16xf32>
    %select_n3A_323 = arith.select %eq3A_318, %broadcast_in_dim3A_321, %broadcast_in_dim3A_322 : vector<4000x16xi1>, vector<4000x16xf32>
    %add3A_324 = arith.addf %add3A_315, %select_n3A_323 : vector<4000x16xf32>
    %get3A_325 = arith.constant 0 : index
    %get3A_326 = arith.constant 0 : index
    %get3A_327 = arith.constant 0 : index
    %get3A_328 = vector.load %arg3[%get3A_325, %get3A_326, %get3A_327] : memref<1x1x4000xi32, #tpu.memory_space<vmem>>, vector<1x1x4000xi32>
    %get3A_329 = vector.shape_cast %get3A_328 : vector<1x1x4000xi32> to vector<4000xi32>
    %iota3A_330 = tpu.iota {dimensions = array<i32: 0>} : vector<1024x4000xi32>
    %broadcast_in_dim3A_331 = vector.shape_cast %get3A_329 : vector<4000xi32> to vector<1x4000xi32>
    %eq3A_332 = vector.broadcast %broadcast_in_dim3A_331 : vector<1x4000xi32> to vector<1024x4000xi32>
    %eq3A_333 = arith.cmpi eq, %iota3A_330, %eq3A_332 : vector<1024x4000xi32>
    %jit3A_334 = arith.constant 1.000000e+00 : f32
    %jit3A_335 = arith.constant 0.000000e+00 : f32
    %broadcast_in_dim3A_336 = vector.broadcast %jit3A_334 : f32 to vector<1024x4000xf32>
    %broadcast_in_dim3A_337 = vector.broadcast %jit3A_335 : f32 to vector<1024x4000xf32>
    %select_n3A_338 = arith.select %eq3A_333, %broadcast_in_dim3A_336, %broadcast_in_dim3A_337 : vector<1024x4000xi1>, vector<1024x4000xf32>
    %convert_element_type3A = arith.truncf %select_n3A_338 : vector<1024x4000xf32> to vector<1024x4000xbf16>
    %convert_element_type3A_339 = arith.truncf %add3A_324 : vector<4000x16xf32> to vector<4000x16xbf16>
    %dot_general3A_340 = arith.constant dense<0.000000e+00> : vector<1024x16xf32>
    %dot_general3A_341 = tpu.matmul %convert_element_type3A, %convert_element_type3A_339, %dot_general3A_340 {dimension_numbers = #tpu.dot_dimension_numbers<[1], [0], [0], [1], [0, 0, 1, 1], [], []>, transpose_lhs_hint = false} : vector<1024x4000xbf16>, vector<4000x16xbf16>, vector<1024x16xf32> -> vector<1024x16xf32>
    %eq3A_342 = arith.constant 0 : i32
    %eq3A_343 = arith.cmpi eq, %arg0, %eq3A_342 : i32
    %convert_element_type3A_344 = arith.extui %eq3A_343 : i1 to i32
    %cond3A = arith.constant 0 : i32
    %cond3A_345 = arith.cmpi ne, %convert_element_type3A_344, %cond3A : i32
    scf.if %cond3A_345 {
      %swap3A = arith.constant 0 : index
      %swap3A_355 = arith.constant 0 : index
      %swap3A_356 = vector.load %arg12[%swap3A, %swap3A_355] : memref<1024x16xf32, #tpu.memory_space<vmem>>, vector<1024x16xf32>
      tpu.vector_store %arg12[%swap3A, %swap3A_355], %dot_general3A_341 {strides = array<i32>} : memref<1024x16xf32, #tpu.memory_space<vmem>>, vector<1024x16xf32>,
    } else {
    }
    %gt3A = arith.constant 0 : i32
    %gt3A_346 = arith.cmpi sgt, %arg0, %gt3A : i32
    %convert_element_type3A_347 = arith.extui %gt3A_346 : i1 to i32
    %cond3A_348 = arith.constant 0 : i32
    %cond3A_349 = arith.cmpi ne, %convert_element_type3A_347, %cond3A_348 : i32
    scf.if %cond3A_349 {
      %get3A_355 = arith.constant 0 : index
      %get3A_356 = arith.constant 0 : index
      %get3A_357 = vector.load %arg12[%get3A_355, %get3A_356] : memref<1024x16xf32, #tpu.memory_space<vmem>>, vector<1024x16xf32>
      %add3A_358 = arith.addf %get3A_357, %dot_general3A_341 : vector<1024x16xf32>
      %swap3A = arith.constant 0 : index
      %swap3A_359 = arith.constant 0 : index
      %swap3A_360 = vector.load %arg12[%swap3A, %swap3A_359] : memref<1024x16xf32, #tpu.memory_space<vmem>>, vector<1024x16xf32>
      tpu.vector_store %arg12[%swap3A, %swap3A_359], %add3A_358 {strides = array<i32>} : memref<1024x16xf32, #tpu.memory_space<vmem>>, vector<1024x16xf32>,
    } else {
    }
    %eq3A_350 = arith.constant 39 : i32
    %eq3A_351 = arith.cmpi eq, %arg0, %eq3A_350 : i32
    %convert_element_type3A_352 = arith.extui %eq3A_351 : i1 to i32
    %cond3A_353 = arith.constant 0 : i32
    %cond3A_354 = arith.cmpi ne, %convert_element_type3A_352, %cond3A_353 : i32
    scf.if %cond3A_354 {
      %get3A_355 = arith.constant 0 : index
      %get3A_356 = arith.constant 0 : index
      %get3A_357 = vector.load %arg4[%get3A_355, %get3A_356] : memref<1024x128xf32, #tpu.memory_space<vmem>>, vector<1024x128xf32>
      %get3A_358 = arith.constant 0 : index
      %get3A_359 = arith.constant 0 : index
      %get3A_360 = vector.load %arg7[%get3A_358, %get3A_359] : memref<128x16xf32, #tpu.memory_space<vmem>>, vector<128x16xf32>
      %dot_general3A_361 = arith.constant dense<0.000000e+00> : vector<1024x16xf32>
      %dot_general3A_362 = tpu.matmul %get3A_357, %get3A_360, %dot_general3A_361 {dimension_numbers = #tpu.dot_dimension_numbers<[1], [0], [0], [1], [0, 0, 1, 1], [], []>, transpose_lhs_hint = false} : vector<1024x128xf32>, vector<128x16xf32>, vector<1024x16xf32> -> vector<1024x16xf32>
      %get3A_363 = arith.constant 0 : index
      %get3A_364 = arith.constant 0 : index
      %get3A_365 = vector.load %arg12[%get3A_363, %get3A_364] : memref<1024x16xf32, #tpu.memory_space<vmem>>, vector<1024x16xf32>
      %get3A_366 = arith.constant 0 : index
      %get3A_367 = arith.constant 0 : index
      %get3A_368 = vector.load %arg8[%get3A_366, %get3A_367] : memref<1x16xf32, #tpu.memory_space<vmem>>, vector<1x16xf32>
      %add3A_369 = vector.broadcast %get3A_368 : vector<1x16xf32> to vector<1024x16xf32>
      %add3A_370 = arith.addf %dot_general3A_362, %add3A_369 : vector<1024x16xf32>
      %max3A_371 = arith.constant 0.000000e+00 : f32
      %max3A_372 = vector.broadcast %max3A_371 : f32 to vector<1024x16xf32>
      %max3A_373 = arith.maximumf %add3A_370, %max3A_372 : vector<1024x16xf32>
      %add3A_374 = arith.addf %get3A_365, %max3A_373 : vector<1024x16xf32>
      %get3A_375 = arith.constant 0 : index
      %get3A_376 = arith.constant 0 : index
      %get3A_377 = vector.load %arg9[%get3A_375, %get3A_376] : memref<16x40xf32, #tpu.memory_space<vmem>>, vector<16x40xf32>
      %dot_general3A_378 = arith.constant dense<0.000000e+00> : vector<1024x40xf32>
      %dot_general3A_379 = tpu.matmul %add3A_374, %get3A_377, %dot_general3A_378 {dimension_numbers = #tpu.dot_dimension_numbers<[1], [0], [0], [1], [0, 0, 1, 1], [], []>, transpose_lhs_hint = false} : vector<1024x16xf32>, vector<16x40xf32>, vector<1024x40xf32> -> vector<1024x40xf32>
      %get3A_380 = arith.constant 0 : index
      %get3A_381 = arith.constant 0 : index
      %get3A_382 = vector.load %arg10[%get3A_380, %get3A_381] : memref<1x40xf32, #tpu.memory_space<vmem>>, vector<1x40xf32>
      %add3A_383 = vector.broadcast %get3A_382 : vector<1x40xf32> to vector<1024x40xf32>
      %add3A_384 = arith.addf %dot_general3A_379, %add3A_383 : vector<1024x40xf32>
      %swap3A = arith.constant 0 : index
      %swap3A_385 = arith.constant 0 : index
      %swap3A_386 = vector.load %arg11[%swap3A, %swap3A_385] : memref<1024x40xf32, #tpu.memory_space<vmem>>, vector<1024x40xf32>
      tpu.vector_store %arg11[%swap3A, %swap3A_385], %add3A_384 {strides = array<i32>} : memref<1024x40xf32, #tpu.memory_space<vmem>>, vector<1024x40xf32>,
    } else {
    }
    return
  }
  func.func @transform_0(%arg0: i32) -> (i32, i32) {
    %c0_i32 = arith.constant 0 : i32
    %c0_i32_0 = arith.constant 0 : i32
    return %arg0, %c0_i32 : i32, i32
  }
  func.func @transform_1(%arg0: i32) -> (i32, i32) {
    %c0_i32 = arith.constant 0 : i32
    %c0_i32_0 = arith.constant 0 : i32
    return %arg0, %c0_i32 : i32, i32
  }
  func.func @transform_2(%arg0: i32) -> (i32, i32, i32) {
    %c0_i32 = arith.constant 0 : i32
    %c0_i32_0 = arith.constant 0 : i32
    %c0_i32_1 = arith.constant 0 : i32
    return %arg0, %c0_i32, %c0_i32_0 : i32, i32, i32
  }
  func.func @transform_3(%arg0: i32) -> (i32, i32) {
    %c0_i32 = arith.constant 0 : i32
    %c0_i32_0 = arith.constant 0 : i32
    %c0_i32_1 = arith.constant 0 : i32
    return %c0_i32, %c0_i32_0 : i32, i32
  }
  func.func @transform_4(%arg0: i32) -> (i32, i32) {
    %c0_i32 = arith.constant 0 : i32
    %c0_i32_0 = arith.constant 0 : i32
    %c0_i32_1 = arith.constant 0 : i32
    return %c0_i32, %c0_i32_0 : i32, i32
  }
  func.func @transform_5(%arg0: i32) -> (i32, i32) {
    %c0_i32 = arith.constant 0 : i32
    %c0_i32_0 = arith.constant 0 : i32
    %c0_i32_1 = arith.constant 0 : i32
    return %c0_i32, %c0_i32_0 : i32, i32
  }
  func.func @transform_6(%arg0: i32) -> (i32, i32) {
    %c0_i32 = arith.constant 0 : i32
    %c0_i32_0 = arith.constant 0 : i32
    %c0_i32_1 = arith.constant 0 : i32
    return %c0_i32, %c0_i32_0 : i32, i32
  }
  func.func @transform_7(%arg0: i32) -> (i32, i32) {
    %c0_i32 = arith.constant 0 : i32
    %c0_i32_0 = arith.constant 0 : i32
    %c0_i32_1 = arith.constant 0 : i32
    return %c0_i32, %c0_i32_0 : i32, i32
  }
  func.func @transform_8(%arg0: i32) -> (i32, i32) {
    %c0_i32 = arith.constant 0 : i32
    %c0_i32_0 = arith.constant 0 : i32
    %c0_i32_1 = arith.constant 0 : i32
    return %c0_i32, %c0_i32_0 : i32, i32
  }
  func.func @transform_9(%arg0: i32) -> (i32, i32) {
    %c0_i32 = arith.constant 0 : i32
    %c0_i32_0 = arith.constant 0 : i32
    %c0_i32_1 = arith.constant 0 : i32
    return %c0_i32, %c0_i32_0 : i32, i32
  }
  func.func @transform_10(%arg0: i32) -> (i32, i32) {
    %c0_i32 = arith.constant 0 : i32
    %c0_i32_0 = arith.constant 0 : i32
    %c0_i32_1 = arith.constant 0 : i32
    return %c0_i32, %c0_i32_0 : i32, i32
  }
}

</mosaic_0001>

<sc_bundles>
// kernel: kernel.4.cloned.1.call-start
scs
__scs_entry_jumppad:
0x0: {  	(pc) =	sbr.rel $0x88, $3  }
0x1: {  	(tag) =	ssettag $0x0;
	lr =	simm.s32 $0x1  }
0x2: {  	[smem:$0x3F96] =	sst lr;
	_ =	strace $0xD0000000  }
0x3: {  	_ = 	snop  }
0x4: {  	_ = 	snop  }
0x5: {  	_ = 	snop  }
0x6: {  	_ = 	snop  }
0x7: {  	_ = 	snop  }
__scs_overlays_trampoline_lowered:
0x8: {  	[smem:$0x3FA5] =	sst s0  }
0x9: {  	[smem:$0x3FA6] =	sst s1  }
0xa: {  	[smem:$0x3FA7] =	sst s2  }
0xb: {  	[smem:$0x3FA8] =	sst s3  }
0xc: {  	[smem:$0x3FA9] =	sst s4  }
0xd: {  	[smem:$0x3FAA] =	sst s5  }
0xe: {  	[smem:$0x3FAB] =	sst s6  }
0xf: {  	[smem:$0x3FAC] =	sst s7  }
0x10: {  	[smem:$0x3FAD] =	sst s8  }
0x11: {  	[smem:$0x3FAE] =	sst s9;
	s0 =	simm.s32 @!p0 $0x0  }
0x12: {  	s1 =	sld [smem:$0x3F94];
	s0 =	simm.s32 @p0 $0x1  }
0x13: {  	[smem:$0x3FAF] =	sst s0;
	s0 =	simm.s32 @!p1 $0x0  }
0x14: {  	s2 =	sld [smem:$0x3F93];
	s0 =	simm.s32 @p1 $0x1  }
0x15: {  	[smem:$0x3FB0] =	sst s0;
	s0 =	simm.s32 @!p2 $0x0  }
0x16: {  	s3 =	sld [smem:$0x3FDB];
	s0 =	simm.s32 @p2 $0x1  }
0x17: {  	s4 =	simm.s32 $0x1BF5;
	[smem:$0x3FB2] =	sst s0  }
0x18: {  	s0 =	sld [smem:$0x3F95];
	_ =	swait.ge [sflag:s4], $0x0  }
0x19: {  	s7 =	sld [smem:$0x3F96]  }
0x1a: {  	s8 =	sadd.s32 $0xFFFFE003, lr  }
0x1b: {  	s9 =	sadd.s32 $0xFFFFFEF7, lr;
	s5 =	simm.s32 $0xFFFFFFFF;
	p2 =	slt.u32 s8, $0xFFFFF086  }
0x1c: {  	p1 =	slt.u32 s9, $0xF7A;
	s5 =	simm.s32 @!p2 $0x0  }
0x1d: {  	s5 =	simm.s32 @p1 $0x1;
	p0 =	seq.s32 s7, s2  }
0x1e: {  	s7 =	smul.u32 @!p0 $0xF7A, s2;
	p2 =	seq.s32 @!p0 s5, $0x0  }
0x1f: {  	s9 =	smul.u32 $0xF7A, s1;
	s8 =	simm.s32 @!p0 $0x1BF5;
	p2 =	por !p2, p0  }
0x20: {  	[sflag:s8] =	ssyncset.s32 @!p0 $0xFFFFF086;
	s6 =	sadd.s32 @!p0 s3, s7;
	s7 =	simm.s32 @!p0 $0x108  }
0x21: {  	s3 =	sadd.s32 s3, s9;
	s6 =	sadd.s32 @!p0 $0x88, s6;
	s7 =	simm.s32 @p2 $0x1082  }
0x22: {  	[simem:s7], [sflag:s8] =	dma.local @!p0 [hbm:s6], $0xF7A  }
0x23: {  	s9 =	sor.u32 $0xD0000000, s2;
	s6 =	simm.s32 $0x108;
	_ =	swait.ge @!p0 [sflag:s8], $0x0  }
0x24: {  	s3 =	sadd.s32 $0x88, s3;
	s6 =	simm.s32 @!p1 $0x1082;
	[sflag:s4] =	ssyncset.s32 $0xFFFFF086  }
0x25: {  	[simem:s6], [sflag:s4] =	dma.local [hbm:s3], $0xF7A  }
0x26: {  	[smem:$0x3F96] =	sst s1;
	(tag) =	ssettag s2;
	_ =	strace s9  }
0x27: {  	s1 =	sld [smem:$0x3FA6]  }
0x28: {  	s2 =	sld [smem:$0x3FA7]  }
0x29: {  	s4 =	sld [smem:$0x3FA9]  }
0x2a: {  	p0 =	seq.s32 s5, $0x0;
	s5 =	sld [smem:$0x3FAA]  }
0x2b: {  	s6 =	sld [smem:$0x3FAB]  }
0x2c: {  	s7 =	sld [smem:$0x3FAC]  }
0x2d: {  	s3 =	simm.s32 $0x108;
	s8 =	sld [smem:$0x3FAD]  }
0x2e: {  	s3 =	simm.s32 @!p0 $0x1082;
	s9 =	sld [smem:$0x3FAE]  }
0x2f: {  	lr =	sadd.s32 s0, s3;
	s0 =	sld [smem:$0x3FA5]  }
0x30: {  	s3 =	sld [smem:$0x3FA8]  }
0x31: {  	[smem:$0x3FB1] =	sst s10  }
0x32: {  	s10 =	sld [smem:$0x3FAF];
	_ =	sdelay $0x3  }
0x33: {  	p0 =	seq.s32 s10, $0x1;
	s10 =	sld [smem:$0x3FB1];
	_ =	sdelay $0x3  }
0x34: {  	[smem:$0x3FB1] =	sst s10  }
0x35: {  	s10 =	sld [smem:$0x3FB0];
	_ =	sdelay $0x3  }
0x36: {  	p1 =	seq.s32 s10, $0x1;
	s10 =	sld [smem:$0x3FB1];
	_ =	sdelay $0x3  }
0x37: {  	[smem:$0x3FB1] =	sst s10  }
0x38: {  	s10 =	sld [smem:$0x3FB2]  }
0x39: {  	_ = 	snop;
	(pc) =	sbr.ind lr, $3  }
0x3a: {  	_ = 	snop  }
0x3b: {  	_ = 	snop  }
0x3c: {  	p2 =	seq.s32 s10, $0x1;
	s10 =	sld [smem:$0x3FB1]  }
0x3d: {  	_ =	shalt  }
0x3e: {  	_ =	shalt  }
0x3f: {  	_ =	shalt  }
0x40: {  	_ =	shalt  }
0x41: {  	_ =	shalt  }
0x42: {  	_ =	shalt  }
0x43: {  	_ =	shalt  }
0x44: {  	_ =	shalt  }
0x45: {  	_ =	shalt  }
0x46: {  	_ =	shalt  }
0x47: {  	_ =	shalt  }
0x48: {  	_ =	shalt  }
0x49: {  	_ =	shalt  }
0x4a: {  	_ =	shalt  }
0x4b: {  	_ =	shalt  }
0x4c: {  	_ =	shalt  }
0x4d: {  	_ =	shalt  }
0x4e: {  	_ =	shalt  }
0x4f: {  	_ =	shalt  }
0x50: {  	_ =	shalt  }
0x51: {  	_ =	shalt  }
0x52: {  	_ =	shalt  }
0x53: {  	_ =	shalt  }
0x54: {  	_ =	shalt  }
0x55: {  	_ =	shalt  }
0x56: {  	_ =	shalt  }
0x57: {  	_ =	shalt  }
0x58: {  	_ =	shalt  }
0x59: {  	_ =	shalt  }
0x5a: {  	_ =	shalt  }
0x5b: {  	_ =	shalt  }
0x5c: {  	_ =	shalt  }
0x5d: {  	_ =	shalt  }
0x5e: {  	_ =	shalt  }
0x5f: {  	_ =	shalt  }
0x60: {  	_ =	shalt  }
0x61: {  	_ =	shalt  }
0x62: {  	_ =	shalt  }
0x63: {  	_ =	shalt  }
0x64: {  	_ =	shalt  }
0x65: {  	_ =	shalt  }
0x66: {  	_ =	shalt  }
0x67: {  	_ =	shalt  }
0x68: {  	_ =	shalt  }
0x69: {  	_ =	shalt  }
0x6a: {  	_ =	shalt  }
0x6b: {  	_ =	shalt  }
0x6c: {  	_ =	shalt  }
0x6d: {  	_ =	shalt  }
0x6e: {  	_ =	shalt  }
0x6f: {  	_ =	shalt  }
0x70: {  	_ =	shalt  }
0x71: {  	_ =	shalt  }
0x72: {  	_ =	shalt  }
0x73: {  	_ =	shalt  }
0x74: {  	_ =	shalt  }
0x75: {  	_ =	shalt  }
0x76: {  	_ =	shalt  }
0x77: {  	_ =	shalt  }
0x78: {  	_ =	shalt  }
0x79: {  	_ =	shalt  }
0x7a: {  	_ =	shalt  }
0x7b: {  	_ =	shalt  }
0x7c: {  	_ =	shalt  }
0x7d: {  	_ =	shalt  }
0x7e: {  	_ =	shalt  }
0x7f: {  	_ =	shalt  }
0x80: {  	_ =	shalt  }
0x81: {  	_ =	shalt  }
0x82: {  	_ =	shalt  }
0x83: {  	_ =	shalt  }
0x84: {  	_ =	shalt  }
0x85: {  	_ =	shalt  }
0x86: {  	_ =	shalt  }
0x87: {  	_ =	shalt  }
.Lfunc_end0:
.L_simem_size_0:
called_computation_lowered:
.L_overlay_start_0:
0x88: {  	s2 =	sld [smem:$0x3FD9]  }
0x89: {  	s3 =	sld [smem:$0x3FFE];
	_ =	sdelay $0x1  }
0x8a: {  	s1 =	srdreg.scid  }
0x8b: {  	s0 =	sand.u32 $0x1, s1  }
0x8c: {  	s17 =	sshll.u32 s0, $0xA;
	s2 =	sadd.s32 s3, s2  }
0x8d: {  	s2 =	sadd.s32 s2, s17  }
0x8e: {  	[smem:$0x3FBD] =	sst s2  }
0x8f: {  	_ = 	snop  }
0x90: {  	s2 =	sld [smem:$0x3FC9];
	(tm) =	ssettm $0x1  }
0x91: {  	s18 =	sld [smem:$0x3FFB];
	_ =	sdelay $0x3  }
0x92: {  	_ =	strace s18  }
0x93: {  	s3 =	sld [smem:$0x3FFC];
	_ =	sdelay $0x3  }
0x94: {  	_ =	strace s3  }
0x95: {  	s3 =	sld [smem:$0x3FFD];
	_ =	sdelay $0x3  }
0x96: {  	_ =	strace s3  }
0x97: {  	_ =	strace $0x8FFFFFFF  }
0x98: {  	s19 =	sld [smem:$0x3FDB];
	_ =	sdelay $0x1  }
0x99: {  	s4 =	simm.s32 $_scs_section_size  }
0x9a: {  	s5 =	simm.s32 $_size__tile_overlayer_lowered;
	s6 =	simm.s32 $_tile_overlayer_lowered  }
0x9b: {  	s22 =	simm.s32 $0x1BFF;
	s21 =	sshll.u32 s6, $0x1;
	s3 =	sadd.s32 s4, s19  }
0x9c: {  	s7 =	simm.s32 $0x0;
	s20 =	sshll.u32 s5, $0x1;
	s5 =	sadd.s32 s21, s3  }
0x9d: {  	[timem:s7], [sflag:s22] =	dma.local [hbm:s5], s20  }
0x9e: {  	_ =	swait.ge [sflag:s22], s20  }
0x9f: {  	s4 =	ssub.s32 $0x0, s20;
	[sflag:s22] =	ssyncset.done $0x0  }
0xa0: {  	[sflag:s22] =	ssyncadd.s32 s4;
	_ =	sdelay $0x1  }
0xa1: {  	s23 =	simm.s32 $0x1B8B  }
0xa2: {  	_ =	swait.ge [sflag:s23], $0x1  }
0xa3: {  	[sflag:s23] =	ssyncset.done $0x0  }
0xa4: {  	s25 =	simm.s32 $0x1B8E;
	s24 =	sld [smem:$0x3FFE];
	[sflag:s23] =	ssyncadd.s32 $0xFFFFFFFF  }
0xa5: {  	s26 =	simm.s32 $execute0_lowered;
	[smem:$0x3FD2] =	sst s25  }
0xa6: {  	s5 =	sshll.u32 s26, $0x1;
	_ =	strace $0x80000046;
	[dreg:$0x1] =	wrdreg $0xFFFFFFFF  }
0xa7: {  	s28 =	simm.s32 $_size_execute0_lowered;
	s3 =	sadd.s32 s3, s5;
	[dreg:$0x0] =	wrdreg $0x0  }
0xa8: {  	s5 =	sshll.u32 s28, $0x1;
	[dreg:$0x2] =	wrdreg s3  }
0xa9: {  	[dreg:$0x3] =	wrdreg s5  }
0xaa: {  	[dreg:$0x4] =	wrdreg $0xC0  }
0xab: {  	_ =	task [dreg:s7], $0x5FFFF  }
0xac: {  	[dreg:$0x1] =	wrdreg $0xFFFFFFFF  }
0xad: {  	[dreg:$0x0] =	wrdreg $0x60  }
0xae: {  	[dreg:$0x2] =	wrdreg s2  }
0xaf: {  	[dreg:$0x3] =	wrdreg s24  }
0xb0: {  	[dreg:$0x4] =	wrdreg $0x9  }
0xb1: {  	_ =	task.clear_ibuf [dreg:s7], $0x5FFFF;
	_ =	strace $0x90000046  }
0xb2: {  	s29 =	simm.s32 $0x9;
	_ =	strace $0x80000048  }
0xb3: {  	_ =	swait.ge [sflag:s29], $0x1  }
0xb4: {  	[sflag:s29] =	ssyncadd.s32 $0xFFFFFFFF  }
0xb5: {  	_ =	strace $0x90000048  }
0xb6: {  	_ =	sfence  }
0xb7: {  	s30 =	sld [smem:$0x0];
	_ =	sdelay $0x2  }
0xb8: {  	s31 =	sshll.u32 s1, $0xD;
	s1 =	sshrl.u32 s1, $0x2  }
0xb9: {  	s3 =	sand.u32 $0x4000, s31;
	s1 =	sadd.s32 s1, s30  }
0xba: {  	s0 =	sor.u32 s3, s0;
	s1 =	sshll.u32 s1, $0x11  }
0xbb: {  	s0 =	sor.u32 s1, s0  }
0xbc: {  	s0 =	sadd.s32 $0x8F2B, s0  }
0xbd: {  	[sflag:s0] =	ssyncadd.remote.s32 $0x1  }
0xbe: {  	_ =	sfence.sel $0xFFFF  }
0xbf: {  	[dreg:$0x0] =	wrdreg $0xFFFFFFFF;
	(pc) =	sbr.abs _section_cstart, $3  }
0xc0: {  	[dreg:$0x1] =	wrdreg $0xFFFFFFFF  }
0xc1: {  	_ =	task.clear_ibuf [dreg:s7], $0x2FFFF;
	_ =	strace $0x9FFFFFFF  }
0xc2: {  	(tm) =	ssettm $0x7FFFFFFF  }
0xc3: {  	_ =	shalt  }
tec
execute0_lowered:
.L_overlay_start_1:
0x0: {  	(tag) =	ssettag $0x1  }
0x1: {  	s1 =	srdreg.scid;
	s0 =	stileid.u32  }
0x2: {  	s1 =	sand.u32 $0x1, s1;
	s3 =	sshll.u32 s0, $0x1  }
0x3: {  	s2 =	rddreg [dreg:$0x0];
	s5 =	sor.u32 s1, s3  }
0x4: {  	s4 =	rddreg [dreg:$0x1];
	s3 =	simm.s32 $0x0;
	s6 =	smul.u32 $0x275, s5  }
0x5: {  	[smem:$0x7FF] =	sst s3;
	s7 =	smul.u32 $0x9D400, s5  }
0x6: {  	s5 =	smul.u32 $0x13A80, s5;
	_ =	strace $0x80000047;
	s6 =	sadd.s32 s6, s4  }
0x7: {  	s4 =	sadd.s32 $0x6400, s4;
	s7 =	sshrl.u32 s7, $0x3;
	s6 =	sadd.s32 $0x1400, s6  }
0x8: {  	s5 =	sadd.s32 s4, s5;
	s31 =	sadd.s32 s4, s7;
	[dreg:$0x3] =	wrdreg s6  }
0x9: {  	[dreg:$0x4] =	wrdreg s5;
	s4 =	sadd.s32 $0x1280, s31  }
0xa: {  	s17 =	sadd.s32 $0x2500, s31;
	[dreg:$0x5] =	wrdreg s4  }
0xb: {  	s18 =	sadd.s32 $0x3780, s31;
	[dreg:$0x6] =	wrdreg s17  }
0xc: {  	s19 =	sadd.s32 $0x4A00, s31;
	[dreg:$0x7] =	wrdreg s18  }
0xd: {  	s20 =	sadd.s32 $0x5C80, s31;
	[dreg:$0x8] =	wrdreg s19  }
0xe: {  	s21 =	sadd.s32 $0x6F00, s31;
	[dreg:$0x9] =	wrdreg s20  }
0xf: {  	s22 =	sadd.s32 $0x8180, s31;
	[dreg:$0xa] =	wrdreg s21  }
0x10: {  	s23 =	sadd.s32 $0x9400, s31;
	[dreg:$0xb] =	wrdreg s22  }
0x11: {  	[dreg:$0xc] =	wrdreg s23  }
0x12: {  	s24 =	sadd.s32 $0xA680, s31;
	s25 =	rddreg [dreg:$0x3]  }
0x13: {  	s26 =	sadd.s32 $0xB900, s31;
	[dreg:$0xd] =	wrdreg s24  }
0x14: {  	[dreg:$0xe] =	wrdreg s26;
	s4 =	simm.s32 $0x3  }
0x15: {  	[tilespmem:s3], [sflag:$0x3] =	stream.linear.gather [hbm4b:s25+s3], $0x13A8, $0x38;
	[tilespmem:$0x13C00] =	vst v63  }
0x16: {  	_ =	swait.ge [sflag:s4], $0x13A8  }
0x17: {  	[sflag:s4] =	ssyncset.done $0x0  }
0x18: {  	s5 =	simm.s32 $0x128;
	s6 =	simm.s32 $0x1400;
	[sflag:s4] =	ssyncadd.s32 $0xFFFFEC58  }
0x19: {  	[tilespmem:s6], [sflag:$0x1] =	stream.indirect.gather [hbm4b:s2+s5], $0x80, s3, s5, $0xb8;
	[tilespmem:$0x13C00] =	vst v63  }
0x1a: {  	s8 =	simm.s32 $0x1;
	s7 =	simm.s32 $0xA800  }
0x1b: {  	[tilespmem:s7], [sflag:$0x2] =	stream.indirect.gather [hbm4b:s2+s5], $0x80, s5, s5, $0xb8;
	[tilespmem:$0x13C00] =	vst v63  }
0x1c: {  	_ =	swait.ge [sflag:s8], $0x9400  }
0x1d: {  	[sflag:s8] =	ssyncset.done $0x0  }
0x1e: {  	s9 =	rddreg [dreg:$0x4];
	[sflag:s8] =	ssyncadd.s32 $0xFFFF6C00  }
0x1f: {  	[hbm4b:s9+s3] =	stream.linear.scatter [tilespmem:s6], [sflag:$0x3], $0x9400, $0x38;
	[tilespmem:$0x13C00] =	vst v63  }
0x20: {  	_ =	swait.ge [sflag:s4], $0x9400  }
0x21: {  	[sflag:s4] =	ssyncset.done $0x0  }
0x22: {  	s10 =	simm.s32 $0x2;
	s9 =	simm.s32 $0x250;
	[sflag:s4] =	ssyncadd.s32 $0xFFFF6C00  }
0x23: {  	[tilespmem:s6], [sflag:$0x1] =	stream.indirect.gather [hbm4b:s2+s5], $0x80, s9, s5, $0xb8;
	[tilespmem:$0x13C00] =	vst v63  }
0x24: {  	_ =	swait.ge [sflag:s10], $0x9400  }
0x25: {  	[sflag:s10] =	ssyncset.done $0x0  }
0x26: {  	s11 =	rddreg [dreg:$0x5];
	[sflag:s10] =	ssyncadd.s32 $0xFFFF6C00  }
0x27: {  	[hbm4b:s11+s3] =	stream.linear.scatter [tilespmem:s7], [sflag:$0x3], $0x9400, $0x38;
	[tilespmem:$0x13C00] =	vst v63  }
0x28: {  	_ =	swait.ge [sflag:s4], $0x9400  }
0x29: {  	[sflag:s4] =	ssyncset.done $0x0  }
0x2a: {  	s11 =	simm.s32 $0x378;
	[sflag:s4] =	ssyncadd.s32 $0xFFFF6C00  }
0x2b: {  	[tilespmem:s7], [sflag:$0x2] =	stream.indirect.gather [hbm4b:s2+s5], $0x80, s11, s5, $0xb8;
	[tilespmem:$0x13C00] =	vst v63  }
0x2c: {  	_ =	swait.ge [sflag:s8], $0x9400  }
0x2d: {  	[sflag:s8] =	ssyncset.done $0x0  }
0x2e: {  	s12 =	rddreg [dreg:$0x6];
	[sflag:s8] =	ssyncadd.s32 $0xFFFF6C00  }
0x2f: {  	[hbm4b:s12+s3] =	stream.linear.scatter [tilespmem:s6], [sflag:$0x3], $0x9400, $0x38;
	[tilespmem:$0x13C00] =	vst v63  }
0x30: {  	_ =	swait.ge [sflag:s4], $0x9400  }
0x31: {  	[sflag:s4] =	ssyncset.done $0x0  }
0x32: {  	s12 =	simm.s32 $0x4A0;
	[sflag:s4] =	ssyncadd.s32 $0xFFFF6C00  }
0x33: {  	[tilespmem:s6], [sflag:$0x1] =	stream.indirect.gather [hbm4b:s2+s5], $0x80, s12, s5, $0xb8;
	[tilespmem:$0x13C00] =	vst v63  }
0x34: {  	_ =	swait.ge [sflag:s10], $0x9400  }
0x35: {  	[sflag:s10] =	ssyncset.done $0x0  }
0x36: {  	s13 =	rddreg [dreg:$0x7];
	[sflag:s10] =	ssyncadd.s32 $0xFFFF6C00  }
0x37: {  	[hbm4b:s13+s3] =	stream.linear.scatter [tilespmem:s7], [sflag:$0x3], $0x9400, $0x38;
	[tilespmem:$0x13C00] =	vst v63  }
0x38: {  	_ =	swait.ge [sflag:s4], $0x9400  }
0x39: {  	[sflag:s4] =	ssyncset.done $0x0  }
0x3a: {  	s13 =	simm.s32 $0x5C8;
	[sflag:s4] =	ssyncadd.s32 $0xFFFF6C00  }
0x3b: {  	[tilespmem:s7], [sflag:$0x2] =	stream.indirect.gather [hbm4b:s2+s5], $0x80, s13, s5, $0xb8;
	[tilespmem:$0x13C00] =	vst v63  }
0x3c: {  	_ =	swait.ge [sflag:s8], $0x9400  }
0x3d: {  	[sflag:s8] =	ssyncset.done $0x0  }
0x3e: {  	s14 =	rddreg [dreg:$0x8];
	[sflag:s8] =	ssyncadd.s32 $0xFFFF6C00  }
0x3f: {  	[hbm4b:s14+s3] =	stream.linear.scatter [tilespmem:s6], [sflag:$0x3], $0x9400, $0x38;
	[tilespmem:$0x13C00] =	vst v63  }
0x40: {  	_ =	swait.ge [sflag:s4], $0x9400  }
0x41: {  	[sflag:s4] =	ssyncset.done $0x0  }
0x42: {  	s14 =	simm.s32 $0x6F0;
	[sflag:s4] =	ssyncadd.s32 $0xFFFF6C00  }
0x43: {  	[tilespmem:s6], [sflag:$0x1] =	stream.indirect.gather [hbm4b:s2+s5], $0x80, s14, s5, $0xb8;
	[tilespmem:$0x13C00] =	vst v63  }
0x44: {  	_ =	swait.ge [sflag:s10], $0x9400  }
0x45: {  	[sflag:s10] =	ssyncset.done $0x0  }
0x46: {  	s15 =	rddreg [dreg:$0x9];
	[sflag:s10] =	ssyncadd.s32 $0xFFFF6C00  }
0x47: {  	[hbm4b:s15+s3] =	stream.linear.scatter [tilespmem:s7], [sflag:$0x3], $0x9400, $0x38;
	[tilespmem:$0x13C00] =	vst v63  }
0x48: {  	_ =	swait.ge [sflag:s4], $0x9400  }
0x49: {  	[sflag:s4] =	ssyncset.done $0x0  }
0x4a: {  	s15 =	simm.s32 $0x818;
	[sflag:s4] =	ssyncadd.s32 $0xFFFF6C00  }
0x4b: {  	[tilespmem:s7], [sflag:$0x2] =	stream.indirect.gather [hbm4b:s2+s5], $0x80, s15, s5, $0xb8;
	[tilespmem:$0x13C00] =	vst v63  }
0x4c: {  	_ =	swait.ge [sflag:s8], $0x9400  }
0x4d: {  	[sflag:s8] =	ssyncset.done $0x0  }
0x4e: {  	s16 =	rddreg [dreg:$0xa];
	[sflag:s8] =	ssyncadd.s32 $0xFFFF6C00  }
0x4f: {  	[hbm4b:s16+s3] =	stream.linear.scatter [tilespmem:s6], [sflag:$0x3], $0x9400, $0x38;
	[tilespmem:$0x13C00] =	vst v63  }
0x50: {  	_ =	swait.ge [sflag:s4], $0x9400  }
0x51: {  	[sflag:s4] =	ssyncset.done $0x0  }
0x52: {  	s16 =	simm.s32 $0x940;
	[sflag:s4] =	ssyncadd.s32 $0xFFFF6C00  }
0x53: {  	[tilespmem:s6], [sflag:$0x1] =	stream.indirect.gather [hbm4b:s2+s5], $0x80, s16, s5, $0xb8;
	[tilespmem:$0x13C00] =	vst v63  }
0x54: {  	_ =	swait.ge [sflag:s10], $0x9400  }
0x55: {  	[sflag:s10] =	ssyncset.done $0x0  }
0x56: {  	s17 =	rddreg [dreg:$0xb];
	[sflag:s10] =	ssyncadd.s32 $0xFFFF6C00  }
0x57: {  	[hbm4b:s17+s3] =	stream.linear.scatter [tilespmem:s7], [sflag:$0x3], $0x9400, $0x38;
	[tilespmem:$0x13C00] =	vst v63  }
0x58: {  	_ =	swait.ge [sflag:s4], $0x9400  }
0x59: {  	[sflag:s4] =	ssyncset.done $0x0  }
0x5a: {  	s17 =	simm.s32 $0xA68;
	[sflag:s4] =	ssyncadd.s32 $0xFFFF6C00  }
0x5b: {  	[tilespmem:s7], [sflag:$0x2] =	stream.indirect.gather [hbm4b:s2+s5], $0x80, s17, s5, $0xb8;
	[tilespmem:$0x13C00] =	vst v63  }
0x5c: {  	_ =	swait.ge [sflag:s8], $0x9400  }
0x5d: {  	[sflag:s8] =	ssyncset.done $0x0  }
0x5e: {  	s18 =	rddreg [dreg:$0xc];
	[sflag:s8] =	ssyncadd.s32 $0xFFFF6C00  }
0x5f: {  	[hbm4b:s18+s3] =	stream.linear.scatter [tilespmem:s6], [sflag:$0x3], $0x9400, $0x38;
	[tilespmem:$0x13C00] =	vst v63  }
0x60: {  	_ =	swait.ge [sflag:s4], $0x9400  }
0x61: {  	[sflag:s4] =	ssyncset.done $0x0  }
0x62: {  	s18 =	simm.s32 $0xB90;
	[sflag:s4] =	ssyncadd.s32 $0xFFFF6C00  }
0x63: {  	[tilespmem:s6], [sflag:$0x1] =	stream.indirect.gather [hbm4b:s2+s5], $0x80, s18, s5, $0xb8;
	[tilespmem:$0x13C00] =	vst v63  }
0x64: {  	_ =	swait.ge [sflag:s10], $0x9400  }
0x65: {  	[sflag:s10] =	ssyncset.done $0x0  }
0x66: {  	s19 =	rddreg [dreg:$0xd];
	[sflag:s10] =	ssyncadd.s32 $0xFFFF6C00  }
0x67: {  	[hbm4b:s19+s3] =	stream.linear.scatter [tilespmem:s7], [sflag:$0x3], $0x9400, $0x38;
	[tilespmem:$0x13C00] =	vst v63  }
0x68: {  	_ =	swait.ge [sflag:s4], $0x9400  }
0x69: {  	[sflag:s4] =	ssyncset.done $0x0  }
0x6a: {  	s19 =	simm.s32 $0xCB8;
	[sflag:s4] =	ssyncadd.s32 $0xFFFF6C00  }
0x6b: {  	[tilespmem:s7], [sflag:$0x2] =	stream.indirect.gather [hbm4b:s2+s5], $0x80, s19, s5, $0xb8;
	[tilespmem:$0x13C00] =	vst v63  }
0x6c: {  	_ =	swait.ge [sflag:s8], $0x9400  }
0x6d: {  	[sflag:s8] =	ssyncset.done $0x0  }
0x6e: {  	s20 =	rddreg [dreg:$0xe];
	[sflag:s8] =	ssyncadd.s32 $0xFFFF6C00  }
0x6f: {  	[hbm4b:s20+s3] =	stream.linear.scatter [tilespmem:s6], [sflag:$0x3], $0x9400, $0x38;
	[tilespmem:$0x13C00] =	vst v63  }
0x70: {  	_ =	swait.ge [sflag:s4], $0x9400  }
0x71: {  	[sflag:s4] =	ssyncset.done $0x0  }
0x72: {  	s20 =	simm.s32 $0xDE0;
	[sflag:s4] =	ssyncadd.s32 $0xFFFF6C00  }
0x73: {  	[tilespmem:s6], [sflag:$0x1] =	stream.indirect.gather [hbm4b:s2+s5], $0x80, s20, s5, $0xb8;
	[tilespmem:$0x13C00] =	vst v63  }
0x74: {  	_ =	swait.ge [sflag:s10], $0x9400  }
0x75: {  	[sflag:s10] =	ssyncset.done $0x0  }
0x76: {  	s21 =	sadd.s32 $0xCB80, s31;
	[sflag:s10] =	ssyncadd.s32 $0xFFFF6C00  }
0x77: {  	[hbm4b:s21+s3] =	stream.linear.scatter [tilespmem:s7], [sflag:$0x3], $0x9400, $0x38;
	[tilespmem:$0x13C00] =	vst v63  }
0x78: {  	_ =	swait.ge [sflag:s4], $0x9400  }
0x79: {  	[sflag:s4] =	ssyncset.done $0x0  }
0x7a: {  	s22 =	simm.s32 $0xF08;
	[sflag:s4] =	ssyncadd.s32 $0xFFFF6C00  }
0x7b: {  	[tilespmem:s7], [sflag:$0x2] =	stream.indirect.gather [hbm4b:s2+s5], $0x80, s22, s5, $0xb8;
	[tilespmem:$0x13C00] =	vst v63  }
0x7c: {  	_ =	swait.ge [sflag:s8], $0x9400  }
0x7d: {  	[sflag:s8] =	ssyncset.done $0x0  }
0x7e: {  	s23 =	sadd.s32 $0xDE00, s31;
	[sflag:s8] =	ssyncadd.s32 $0xFFFF6C00  }
0x7f: {  	[hbm4b:s23+s3] =	stream.linear.scatter [tilespmem:s6], [sflag:$0x3], $0x9400, $0x38;
	[tilespmem:$0x13C00] =	vst v63  }
0x80: {  	_ =	swait.ge [sflag:s4], $0x9400  }
0x81: {  	[sflag:s4] =	ssyncset.done $0x0  }
0x82: {  	s24 =	simm.s32 $0x1030;
	[sflag:s4] =	ssyncadd.s32 $0xFFFF6C00  }
0x83: {  	[tilespmem:s6], [sflag:$0x1] =	stream.indirect.gather [hbm4b:s2+s5], $0x80, s24, s5, $0xb8;
	[tilespmem:$0x13C00] =	vst v63  }
0x84: {  	_ =	swait.ge [sflag:s10], $0x9400  }
0x85: {  	[sflag:s10] =	ssyncset.done $0x0  }
0x86: {  	s25 =	sadd.s32 $0xF080, s31;
	[sflag:s10] =	ssyncadd.s32 $0xFFFF6C00  }
0x87: {  	[hbm4b:s25+s3] =	stream.linear.scatter [tilespmem:s7], [sflag:$0x3], $0x9400, $0x38;
	[tilespmem:$0x13C00] =	vst v63  }
0x88: {  	_ =	swait.ge [sflag:s4], $0x9400  }
0x89: {  	[sflag:s4] =	ssyncset.done $0x0  }
0x8a: {  	s26 =	simm.s32 $0x1158;
	[sflag:s4] =	ssyncadd.s32 $0xFFFF6C00  }
0x8b: {  	[tilespmem:s7], [sflag:$0x2] =	stream.indirect.gather [hbm4b:s2+s5], $0x80, s26, s5, $0xb8;
	[tilespmem:$0x13C00] =	vst v63  }
0x8c: {  	_ =	swait.ge [sflag:s8], $0x9400  }
0x8d: {  	[sflag:s8] =	ssyncset.done $0x0  }
0x8e: {  	s28 =	sadd.s32 $0x10300, s31;
	[sflag:s8] =	ssyncadd.s32 $0xFFFF6C00  }
0x8f: {  	[hbm4b:s28+s3] =	stream.linear.scatter [tilespmem:s6], [sflag:$0x3], $0x9400, $0x38;
	[tilespmem:$0x13C00] =	vst v63  }
0x90: {  	_ =	swait.ge [sflag:s4], $0x9400  }
0x91: {  	[sflag:s4] =	ssyncset.done $0x0  }
0x92: {  	s29 =	simm.s32 $0x1280;
	[sflag:s4] =	ssyncadd.s32 $0xFFFF6C00  }
0x93: {  	[tilespmem:s6], [sflag:$0x1] =	stream.indirect.gather [hbm4b:s2+s5], $0x80, s29, s5, $0xb8;
	[tilespmem:$0x13C00] =	vst v63  }
0x94: {  	_ =	swait.ge [sflag:s10], $0x9400  }
0x95: {  	s1 =	ssub.s32 $0x2, s1;
	[sflag:s10] =	ssyncset.done $0x0  }
0x96: {  	s0 =	sshrl.u32 s1, $0x1;
	s30 =	sadd.s32 $0x11580, s31;
	[sflag:s10] =	ssyncadd.s32 $0xFFFF6C00  }
0x97: {  	[hbm4b:s30+s3] =	stream.linear.scatter [tilespmem:s7], [sflag:$0x3], $0x9400, $0x38;
	[tilespmem:$0x13C00] =	vst v63  }
0x98: {  	s0 =	ssub.s32 s1, s0;
	_ =	swait.ge [sflag:s4], $0x9400  }
0x99: {  	s0 =	smax.u32 s0, $0x1;
	[sflag:s4] =	ssyncset.done $0x0  }
0x9a: {  	p0 =	sne.s32 s0, $0x1;
	[sflag:s4] =	ssyncadd.s32 $0xFFFF6C00  }
.Ltmp0:
0x9b: {  	_ =	swait.ge [sflag:s8], $0x9400;
	(pc) =	sbr.rel @!p0 .LBB2_2-.Ltmp0, $4  }
0x9c: {  	[sflag:s8] =	ssyncset.done $0x0  }
0x9d: {  	s31 =	sadd.s32 $0x12800, s31;
	[sflag:s8] =	ssyncadd.s32 $0xFFFF6C00  }
0x9e: {  	[hbm4b:s31+s3] =	stream.linear.scatter [tilespmem:s6], [sflag:$0x3], $0x9400, $0x38;
	[tilespmem:$0x13C00] =	vst v63  }
0x9f: {  	s1 =	sadd.s32 $0xFFFFFFFF, s0;
	_ =	swait.ge [sflag:s4], $0x9400  }
.LBB2_1:
0xa0: {  	[sflag:s4] =	ssyncset.done $0x0  }
0xa1: {  	s0 =	rddreg [dreg:$0x3];
	[sflag:s4] =	ssyncadd.s32 $0xFFFF6C00  }
0xa2: {  	[tilespmem:s3], [sflag:$0x3] =	stream.linear.gather [hbm4b:s0+s3], $0x13A8, $0x38;
	[tilespmem:$0x13C00] =	vst v63  }
0xa3: {  	_ =	swait.ge [sflag:s4], $0x13A8  }
0xa4: {  	[sflag:s4] =	ssyncset.done $0x0  }
0xa5: {  	[sflag:s4] =	ssyncadd.s32 $0xFFFFEC58  }
0xa6: {  	[tilespmem:s6], [sflag:$0x1] =	stream.indirect.gather [hbm4b:s2+s5], $0x80, s3, s5, $0xb8;
	[tilespmem:$0x13C00] =	vst v63  }
0xa7: {  	_ = 	snop  }
0xa8: {  	[tilespmem:s7], [sflag:$0x2] =	stream.indirect.gather [hbm4b:s2+s5], $0x80, s5, s5, $0xb8;
	[tilespmem:$0x13C00] =	vst v63  }
0xa9: {  	_ =	swait.ge [sflag:s8], $0x9400  }
0xaa: {  	[sflag:s8] =	ssyncset.done $0x0  }
0xab: {  	s0 =	rddreg [dreg:$0x4];
	[sflag:s8] =	ssyncadd.s32 $0xFFFF6C00  }
0xac: {  	[hbm4b:s0+s3] =	stream.linear.scatter [tilespmem:s6], [sflag:$0x3], $0x9400, $0x38;
	[tilespmem:$0x13C00] =	vst v63  }
0xad: {  	_ =	swait.ge [sflag:s4], $0x9400  }
0xae: {  	[sflag:s4] =	ssyncset.done $0x0  }
0xaf: {  	[sflag:s4] =	ssyncadd.s32 $0xFFFF6C00  }
0xb0: {  	[tilespmem:s6], [sflag:$0x1] =	stream.indirect.gather [hbm4b:s2+s5], $0x80, s9, s5, $0xb8;
	[tilespmem:$0x13C00] =	vst v63  }
0xb1: {  	_ =	swait.ge [sflag:s10], $0x9400  }
0xb2: {  	[sflag:s10] =	ssyncset.done $0x0  }
0xb3: {  	s0 =	rddreg [dreg:$0x5];
	[sflag:s10] =	ssyncadd.s32 $0xFFFF6C00  }
0xb4: {  	[hbm4b:s0+s3] =	stream.linear.scatter [tilespmem:s7], [sflag:$0x3], $0x9400, $0x38;
	[tilespmem:$0x13C00] =	vst v63  }
0xb5: {  	_ =	swait.ge [sflag:s4], $0x9400  }
0xb6: {  	[sflag:s4] =	ssyncset.done $0x0  }
0xb7: {  	[sflag:s4] =	ssyncadd.s32 $0xFFFF6C00  }
0xb8: {  	[tilespmem:s7], [sflag:$0x2] =	stream.indirect.gather [hbm4b:s2+s5], $0x80, s11, s5, $0xb8;
	[tilespmem:$0x13C00] =	vst v63  }
0xb9: {  	_ =	swait.ge [sflag:s8], $0x9400  }
0xba: {  	[sflag:s8] =	ssyncset.done $0x0  }
0xbb: {  	s0 =	rddreg [dreg:$0x6];
	[sflag:s8] =	ssyncadd.s32 $0xFFFF6C00  }
0xbc: {  	[hbm4b:s0+s3] =	stream.linear.scatter [tilespmem:s6], [sflag:$0x3], $0x9400, $0x38;
	[tilespmem:$0x13C00] =	vst v63  }
0xbd: {  	_ =	swait.ge [sflag:s4], $0x9400  }
0xbe: {  	[sflag:s4] =	ssyncset.done $0x0  }
0xbf: {  	[sflag:s4] =	ssyncadd.s32 $0xFFFF6C00  }
0xc0: {  	[tilespmem:s6], [sflag:$0x1] =	stream.indirect.gather [hbm4b:s2+s5], $0x80, s12, s5, $0xb8;
	[tilespmem:$0x13C00] =	vst v63  }
0xc1: {  	_ =	swait.ge [sflag:s10], $0x9400  }
0xc2: {  	[sflag:s10] =	ssyncset.done $0x0  }
0xc3: {  	s0 =	rddreg [dreg:$0x7];
	[sflag:s10] =	ssyncadd.s32 $0xFFFF6C00  }
0xc4: {  	[hbm4b:s0+s3] =	stream.linear.scatter [tilespmem:s7], [sflag:$0x3], $0x9400, $0x38;
	[tilespmem:$0x13C00] =	vst v63  }
0xc5: {  	_ =	swait.ge [sflag:s4], $0x9400  }
0xc6: {  	[sflag:s4] =	ssyncset.done $0x0  }
0xc7: {  	[sflag:s4] =	ssyncadd.s32 $0xFFFF6C00  }
0xc8: {  	[tilespmem:s7], [sflag:$0x2] =	stream.indirect.gather [hbm4b:s2+s5], $0x80, s13, s5, $0xb8;
	[tilespmem:$0x13C00] =	vst v63  }
0xc9: {  	_ =	swait.ge [sflag:s8], $0x9400  }
0xca: {  	[sflag:s8] =	ssyncset.done $0x0  }
0xcb: {  	s0 =	rddreg [dreg:$0x8];
	[sflag:s8] =	ssyncadd.s32 $0xFFFF6C00  }
0xcc: {  	[hbm4b:s0+s3] =	stream.linear.scatter [tilespmem:s6], [sflag:$0x3], $0x9400, $0x38;
	[tilespmem:$0x13C00] =	vst v63  }
0xcd: {  	_ =	swait.ge [sflag:s4], $0x9400  }
0xce: {  	[sflag:s4] =	ssyncset.done $0x0  }
0xcf: {  	[sflag:s4] =	ssyncadd.s32 $0xFFFF6C00  }
0xd0: {  	[tilespmem:s6], [sflag:$0x1] =	stream.indirect.gather [hbm4b:s2+s5], $0x80, s14, s5, $0xb8;
	[tilespmem:$0x13C00] =	vst v63  }
0xd1: {  	_ =	swait.ge [sflag:s10], $0x9400  }
0xd2: {  	[sflag:s10] =	ssyncset.done $0x0  }
0xd3: {  	s0 =	rddreg [dreg:$0x9];
	[sflag:s10] =	ssyncadd.s32 $0xFFFF6C00  }
0xd4: {  	[hbm4b:s0+s3] =	stream.linear.scatter [tilespmem:s7], [sflag:$0x3], $0x9400, $0x38;
	[tilespmem:$0x13C00] =	vst v63  }
0xd5: {  	_ =	swait.ge [sflag:s4], $0x9400  }
0xd6: {  	[sflag:s4] =	ssyncset.done $0x0  }
0xd7: {  	[sflag:s4] =	ssyncadd.s32 $0xFFFF6C00  }
0xd8: {  	[tilespmem:s7], [sflag:$0x2] =	stream.indirect.gather [hbm4b:s2+s5], $0x80, s15, s5, $0xb8;
	[tilespmem:$0x13C00] =	vst v63  }
0xd9: {  	_ =	swait.ge [sflag:s8], $0x9400  }
0xda: {  	[sflag:s8] =	ssyncset.done $0x0  }
0xdb: {  	s0 =	rddreg [dreg:$0xa];
	[sflag:s8] =	ssyncadd.s32 $0xFFFF6C00  }
0xdc: {  	[hbm4b:s0+s3] =	stream.linear.scatter [tilespmem:s6], [sflag:$0x3], $0x9400, $0x38;
	[tilespmem:$0x13C00] =	vst v63  }
0xdd: {  	_ =	swait.ge [sflag:s4], $0x9400  }
0xde: {  	[sflag:s4] =	ssyncset.done $0x0  }
0xdf: {  	[sflag:s4] =	ssyncadd.s32 $0xFFFF6C00  }
0xe0: {  	[tilespmem:s6], [sflag:$0x1] =	stream.indirect.gather [hbm4b:s2+s5], $0x80, s16, s5, $0xb8;
	[tilespmem:$0x13C00] =	vst v63  }
0xe1: {  	_ =	swait.ge [sflag:s10], $0x9400  }
0xe2: {  	[sflag:s10] =	ssyncset.done $0x0  }
0xe3: {  	s0 =	rddreg [dreg:$0xb];
	[sflag:s10] =	ssyncadd.s32 $0xFFFF6C00  }
0xe4: {  	[hbm4b:s0+s3] =	stream.linear.scatter [tilespmem:s7], [sflag:$0x3], $0x9400, $0x38;
	[tilespmem:$0x13C00] =	vst v63  }
0xe5: {  	_ =	swait.ge [sflag:s4], $0x9400  }
0xe6: {  	[sflag:s4] =	ssyncset.done $0x0  }
0xe7: {  	[sflag:s4] =	ssyncadd.s32 $0xFFFF6C00  }
0xe8: {  	[tilespmem:s7], [sflag:$0x2] =	stream.indirect.gather [hbm4b:s2+s5], $0x80, s17, s5, $0xb8;
	[tilespmem:$0x13C00] =	vst v63  }
0xe9: {  	_ =	swait.ge [sflag:s8], $0x9400  }
0xea: {  	[sflag:s8] =	ssyncset.done $0x0  }
0xeb: {  	s0 =	rddreg [dreg:$0xc];
	[sflag:s8] =	ssyncadd.s32 $0xFFFF6C00  }
0xec: {  	[hbm4b:s0+s3] =	stream.linear.scatter [tilespmem:s6], [sflag:$0x3], $0x9400, $0x38;
	[tilespmem:$0x13C00] =	vst v63  }
0xed: {  	_ =	swait.ge [sflag:s4], $0x9400  }
0xee: {  	[sflag:s4] =	ssyncset.done $0x0  }
0xef: {  	[sflag:s4] =	ssyncadd.s32 $0xFFFF6C00  }
0xf0: {  	[tilespmem:s6], [sflag:$0x1] =	stream.indirect.gather [hbm4b:s2+s5], $0x80, s18, s5, $0xb8;
	[tilespmem:$0x13C00] =	vst v63  }
0xf1: {  	_ =	swait.ge [sflag:s10], $0x9400  }
0xf2: {  	[sflag:s10] =	ssyncset.done $0x0  }
0xf3: {  	s0 =	rddreg [dreg:$0xd];
	[sflag:s10] =	ssyncadd.s32 $0xFFFF6C00  }
0xf4: {  	[hbm4b:s0+s3] =	stream.linear.scatter [tilespmem:s7], [sflag:$0x3], $0x9400, $0x38;
	[tilespmem:$0x13C00] =	vst v63  }
0xf5: {  	_ =	swait.ge [sflag:s4], $0x9400  }
0xf6: {  	[sflag:s4] =	ssyncset.done $0x0  }
0xf7: {  	[sflag:s4] =	ssyncadd.s32 $0xFFFF6C00  }
0xf8: {  	[tilespmem:s7], [sflag:$0x2] =	stream.indirect.gather [hbm4b:s2+s5], $0x80, s19, s5, $0xb8;
	[tilespmem:$0x13C00] =	vst v63  }
0xf9: {  	_ =	swait.ge [sflag:s8], $0x9400  }
0xfa: {  	[sflag:s8] =	ssyncset.done $0x0  }
0xfb: {  	s0 =	rddreg [dreg:$0xe];
	[sflag:s8] =	ssyncadd.s32 $0xFFFF6C00  }
0xfc: {  	[hbm4b:s0+s3] =	stream.linear.scatter [tilespmem:s6], [sflag:$0x3], $0x9400, $0x38;
	[tilespmem:$0x13C00] =	vst v63  }
0xfd: {  	_ =	swait.ge [sflag:s4], $0x9400  }
0xfe: {  	[sflag:s4] =	ssyncset.done $0x0  }
0xff: {  	[sflag:s4] =	ssyncadd.s32 $0xFFFF6C00  }
0x100: {  	[tilespmem:s6], [sflag:$0x1] =	stream.indirect.gather [hbm4b:s2+s5], $0x80, s20, s5, $0xb8;
	[tilespmem:$0x13C00] =	vst v63  }
0x101: {  	_ =	swait.ge [sflag:s10], $0x9400  }
0x102: {  	[sflag:s10] =	ssyncset.done $0x0  }
0x103: {  	[sflag:s10] =	ssyncadd.s32 $0xFFFF6C00  }
0x104: {  	[hbm4b:s21+s3] =	stream.linear.scatter [tilespmem:s7], [sflag:$0x3], $0x9400, $0x38;
	[tilespmem:$0x13C00] =	vst v63  }
0x105: {  	_ =	swait.ge [sflag:s4], $0x9400  }
0x106: {  	[sflag:s4] =	ssyncset.done $0x0  }
0x107: {  	[sflag:s4] =	ssyncadd.s32 $0xFFFF6C00  }
0x108: {  	[tilespmem:s7], [sflag:$0x2] =	stream.indirect.gather [hbm4b:s2+s5], $0x80, s22, s5, $0xb8;
	[tilespmem:$0x13C00] =	vst v63  }
0x109: {  	_ =	swait.ge [sflag:s8], $0x9400  }
0x10a: {  	[sflag:s8] =	ssyncset.done $0x0  }
0x10b: {  	[sflag:s8] =	ssyncadd.s32 $0xFFFF6C00  }
0x10c: {  	[hbm4b:s23+s3] =	stream.linear.scatter [tilespmem:s6], [sflag:$0x3], $0x9400, $0x38;
	[tilespmem:$0x13C00] =	vst v63  }
0x10d: {  	_ =	swait.ge [sflag:s4], $0x9400  }
0x10e: {  	[sflag:s4] =	ssyncset.done $0x0  }
0x10f: {  	[sflag:s4] =	ssyncadd.s32 $0xFFFF6C00  }
0x110: {  	[tilespmem:s6], [sflag:$0x1] =	stream.indirect.gather [hbm4b:s2+s5], $0x80, s24, s5, $0xb8;
	[tilespmem:$0x13C00] =	vst v63  }
0x111: {  	_ =	swait.ge [sflag:s10], $0x9400  }
0x112: {  	[sflag:s10] =	ssyncset.done $0x0  }
0x113: {  	[sflag:s10] =	ssyncadd.s32 $0xFFFF6C00  }
0x114: {  	[hbm4b:s25+s3] =	stream.linear.scatter [tilespmem:s7], [sflag:$0x3], $0x9400, $0x38;
	[tilespmem:$0x13C00] =	vst v63  }
0x115: {  	_ =	swait.ge [sflag:s4], $0x9400  }
0x116: {  	[sflag:s4] =	ssyncset.done $0x0  }
0x117: {  	[sflag:s4] =	ssyncadd.s32 $0xFFFF6C00  }
0x118: {  	[tilespmem:s7], [sflag:$0x2] =	stream.indirect.gather [hbm4b:s2+s5], $0x80, s26, s5, $0xb8;
	[tilespmem:$0x13C00] =	vst v63  }
0x119: {  	_ =	swait.ge [sflag:s8], $0x9400  }
0x11a: {  	[sflag:s8] =	ssyncset.done $0x0  }
0x11b: {  	[sflag:s8] =	ssyncadd.s32 $0xFFFF6C00  }
0x11c: {  	[hbm4b:s28+s3] =	stream.linear.scatter [tilespmem:s6], [sflag:$0x3], $0x9400, $0x38;
	[tilespmem:$0x13C00] =	vst v63  }
0x11d: {  	_ =	swait.ge [sflag:s4], $0x9400  }
0x11e: {  	[sflag:s4] =	ssyncset.done $0x0  }
0x11f: {  	[sflag:s4] =	ssyncadd.s32 $0xFFFF6C00  }
0x120: {  	[tilespmem:s6], [sflag:$0x1] =	stream.indirect.gather [hbm4b:s2+s5], $0x80, s29, s5, $0xb8;
	[tilespmem:$0x13C00] =	vst v63  }
0x121: {  	_ =	swait.ge [sflag:s10], $0x9400  }
0x122: {  	[sflag:s10] =	ssyncset.done $0x0  }
0x123: {  	[sflag:s10] =	ssyncadd.s32 $0xFFFF6C00  }
0x124: {  	[hbm4b:s30+s3] =	stream.linear.scatter [tilespmem:s7], [sflag:$0x3], $0x9400, $0x38;
	[tilespmem:$0x13C00] =	vst v63  }
0x125: {  	_ =	swait.ge [sflag:s4], $0x9400  }
0x126: {  	[sflag:s4] =	ssyncset.done $0x0  }
0x127: {  	p0 =	sne.s32 s1, $0x1;
	[sflag:s4] =	ssyncadd.s32 $0xFFFF6C00  }
.Ltmp1:
0x128: {  	_ =	swait.ge [sflag:s8], $0x9400;
	(pc) =	sbr.rel @p0 .LBB2_1-.Ltmp1, $4  }
0x129: {  	[sflag:s8] =	ssyncset.done $0x0  }
0x12a: {  	[sflag:s8] =	ssyncadd.s32 $0xFFFF6C00  }
0x12b: {  	[hbm4b:s31+s3] =	stream.linear.scatter [tilespmem:s6], [sflag:$0x3], $0x9400, $0x38;
	[tilespmem:$0x13C00] =	vst v63  }
0x12c: {  	s1 =	sadd.s32 $0xFFFFFFFF, s1;
	_ =	swait.ge [sflag:s4], $0x9400  }
.LBB2_2:
0x12d: {  	[sflag:s4] =	ssyncset.done $0x0  }
0x12e: {  	[sflag:s4] =	ssyncadd.s32 $0xFFFF6C00  }
0x12f: {  	_ =	sfence.sel $0x180000  }
0x130: {  	[bflag:$0x0] =	sbarrier.arrive $0xFFFF  }
0x131: {  	_ =	strace $0x90000047  }
0x132: {  	s0 =	stileid.u32;
	[bflag:$0x2] =	sbarrier.arrive $0xFFFF  }
0x133: {  	p0 =	sne.s32 s0, $0x0;
	s0 =	rddreg [dreg:$0x2]  }
0x134: {  	s0 =	sadd.s32 @!p0 $0x100000, s0  }
0x135: {  	[sflag:s0] =	ssyncadd.tile.s32 @!p0 $0x1;
	_ =	shalt  }
.Lfunc_end2:
_tile_overlayer_lowered:
.L_overlay_start_2:
0x136: {  	(tag) =	ssettag $0x2  }
0x137: {  	s0 =	rddreg [dreg:$0x0];
	s2 =	stileid.u32  }
0x138: {  	s1 =	rddreg [dreg:$0x1];
	p0 =	sne.s32 s2, $0x0  }
0x139: {  	s3 =	rddreg [dreg:$0x2];
	[bflag:$0x3] =	sbarrier.arrive $0xFFFF;
	s2 =	simm.s32 @!p0 $0x1C03  }
0x13a: {  	[timem:s3], [sflag:s2] =	dma.local @!p0 [hbm:s0], s1  }
0x13b: {  	s0 =	simm.s32 @!p0 $0x3  }
0x13c: {  	_ =	swait.ge @!p0 [sflag:s0], s1  }
0x13d: {  	s1 =	ssub.s32 @!p0 $0x0, s1;
	[sflag:s0] =	ssyncset.done @!p0 $0x0  }
0x13e: {  	[sflag:s0] =	ssyncadd.s32 @!p0 s1  }
0x13f: {  	[bflag:$0x3] =	sbarrier.arrive $0xFFFF  }
0x140: {  	_ =	shalt  }

</sc_bundles>
